<compile_context>
chip_gen: v7x
topology: tpu7x:2x2x1
jax: 0.10.2.dev20260603
libtpu: 0.0.44.dev20260713+nightly
codegen_flags: <defaults>
</compile_context>

<pallas_src>
import functools

import jax
import jax.numpy as jnp
from jax import lax
from jax.experimental import pallas as pl
from jax.experimental.pallas import tpu as pltpu
from jax.experimental.pallas import tpu_sc as plsc

R = 128
N = 100000
BC = 4096
NBF = 24
BULK = NBF * BC
TW = 2048
TAIL = N - BULK
K = 4
_I32_MAX = jnp.iinfo(jnp.int32).max

NC = 2
NS = 16
NW = NC * NS
RW = R // NW
SPAN = R * N // NW
CHUNK = 16000
ZROWS = CHUNK // 16
NCH = SPAN // CHUNK
WAVE = 25


def _in_copy(x_hbm, buf, sem, j):
    return pltpu.make_async_copy(
        x_hbm.at[:, pl.ds(j * BC, BC)], buf, sem)


def _argmax_kernel(x_hbm, xt_ref, idx_ref, b0, b1, b2, b3, acc_ref,
                   blk_ref, in_sems):
    bufs = [b0, b1, b2, b3]
    acc_ref[...] = jnp.full_like(acc_ref, -jnp.inf)
    blk_ref[...] = jnp.zeros_like(blk_ref)

    for s in range(K):
        _in_copy(x_hbm, bufs[s], in_sems.at[s], s).start()

    for j in range(NBF):
        s = j % K
        _in_copy(x_hbm, bufs[s], in_sems.at[s], j).wait()
        x = bufs[s][...]
        better = x > acc_ref[...]
        acc_ref[...] = jnp.where(better, x, acc_ref[...])
        blk_ref[...] = jnp.where(better, j, blk_ref[...])
        if j + K < NBF:
            _in_copy(x_hbm, bufs[s], in_sems.at[s], j + K).start()

    acc = acc_ref[...]
    lane = jax.lax.broadcasted_iota(jnp.int32, (R, BC), 1)
    m = jnp.max(acc, axis=-1, keepdims=True)
    cand = jnp.where(acc == m, blk_ref[...] * BC + lane, _I32_MAX)
    idx_b = jnp.min(cand, axis=-1, keepdims=True)

    lane_t = jax.lax.broadcasted_iota(jnp.int32, (R, TW), 1)
    xt = jnp.where(lane_t < TAIL, xt_ref[...], -jnp.inf)
    mt = jnp.max(xt, axis=-1, keepdims=True)
    cand_t = jnp.where(xt == mt, lane_t + BULK, _I32_MAX)
    idx_t = jnp.min(cand_t, axis=-1, keepdims=True)
    idx_ref[...] = jnp.where(mt > m, idx_t, idx_b)


def _onehot_sc_kernel(idx_hbm, out_hbm, zbuf, buf_row, idx_vmem,
                      idx16_vmem, rowidx_ref, sem):
    wid = lax.axis_index("s") * NC + lax.axis_index("c")

    @pl.loop(0, ZROWS)
    def _zero(t):
        zbuf[t, :] = jnp.zeros((16,), jnp.float32)

    pltpu.sync_copy(idx_hbm, idx_vmem)

    rowbase = wid * (SPAN // 16)
    for w0 in range(0, NCH, WAVE):
        descs = []
        for k in range(w0, min(w0 + WAVE, NCH)):
            descs.append(pltpu.async_copy(
                zbuf, out_hbm.at[pl.ds(rowbase + k * ZROWS, ZROWS)], sem))
        for d in descs:
            d.wait()

    lane16 = jax.lax.broadcasted_iota(jnp.int32, (16,), 0)
    grp = wid // 4
    pltpu.sync_copy(idx_hbm.at[pl.ds(grp * 16, 16)], idx16_vmem)
    cvec = idx16_vmem[...]
    rvec = lane16 + grp * 16
    p = rvec * N + cvec
    row16 = jax.lax.shift_right_logical(p, 4)
    off = jax.lax.bitwise_and(p, 15)
    seat = wid - grp * 4
    for i in range(RW):
        lane_sel = lane16 == (seat * 4 + i)
        offb = jnp.sum(jnp.where(lane_sel, off, 0))
        r16b = jnp.sum(jnp.where(lane_sel, row16, 0))
        buf_row[0, :] = (lane16 == offb).astype(jnp.float32)
        pltpu.sync_copy(buf_row,
                        out_hbm.at[pl.ds(r16b, 1), :])


_sc_mesh = plsc.VectorSubcoreMesh(core_axis_name="c", subcore_axis_name="s")

_onehot_sc = pl.kernel(
    _onehot_sc_kernel,
    out_type=jax.ShapeDtypeStruct((R * N // 16, 16), jnp.float32),
    mesh=_sc_mesh,
    compiler_params=pltpu.CompilerParams(needs_layout_passes=False),
    scratch_types=[
        pltpu.VMEM((ZROWS, 16), jnp.float32),
        pltpu.VMEM((1, 16), jnp.float32),
        pltpu.VMEM((R,), jnp.int32),
        pltpu.VMEM((16,), jnp.int32),
        pltpu.VMEM((1,), jnp.int32),
        pltpu.SemaphoreType.DMA,
    ],
)


@functools.partial(jax.jit, static_argnames=("interpret",))
def kernel(logits, interpret=False):
    idx = pl.pallas_call(
        _argmax_kernel,
        grid=(1,),
        in_specs=[pl.BlockSpec(memory_space=pl.ANY),
                  pl.BlockSpec((R, TW), lambda i: (0, BULK // TW))],
        out_specs=pl.BlockSpec((R, 1), lambda i: (0, 0)),
        out_shape=jax.ShapeDtypeStruct((R, 1), jnp.int32),
        scratch_shapes=[
            pltpu.VMEM((R, BC), jnp.float32),
            pltpu.VMEM((R, BC), jnp.float32),
            pltpu.VMEM((R, BC), jnp.float32),
            pltpu.VMEM((R, BC), jnp.float32),
            pltpu.VMEM((R, BC), jnp.float32),
            pltpu.VMEM((R, BC), jnp.int32),
            pltpu.SemaphoreType.DMA((K,)),
        ],
        interpret=interpret,
    )(logits, logits)

    out = _onehot_sc(idx.reshape(R))
    return out.reshape(R, N)

# --- scband reference (transcript-rebuilt; emitter-appended) ---
"""Pipeline reference for scband-gumbel-softmax-80633716015203 (READ-ONLY COPY).

The authoritative reference and input builder live on the scoring server;
editing this copy changes nothing except your own understanding.
"""

import jax, jax.numpy as jnp
import numpy as np

TAU = 1.0


def setup_inputs(seed: int = 0) -> dict:
    key = jax.random.key(seed)
    logits = jax.random.normal(key, (128, 100000), dtype=jnp.float32)
    return {"logits": logits}


def reference(logits):
    # GumbelSoftmax with noise=False, hard=True, tau=1, dim=-1
    x = jax.nn.softmax(logits / TAU, axis=-1)
    index = jnp.argmax(x, axis=-1)
    # scatter of 1.0 at argmax positions along last dim == one-hot
    hard = jax.nn.one_hot(index, logits.shape[-1], dtype=logits.dtype)
    # straight-through estimator: forward value is hard one-hot,
    # gradient flows through soft x
    out = hard - jax.lax.stop_gradient(x) + x
    return out

if __name__ == "__main__":
    import jax
    _d = setup_inputs()
    print(jax.jit(kernel)(*tuple(_d.values())))

</pallas_src>

<mosaic_0001>
#map = affine_map<(d0, d1) -> (0)>
#map1 = affine_map<(d0, d1) -> (0, 0)>
module attributes {stable_mosaic.version = 14 : i64} {
  func.func @_onehot_sc_kernel(%arg0: i32, %arg1: i32, %arg2: memref<128xi32, #tpu.memory_space<hbm>>, %arg3: memref<800000x16xf32, #tpu.memory_space<hbm>>, %arg4: memref<1000x16xf32, #tpu.memory_space<vmem>>, %arg5: memref<1x16xf32, #tpu.memory_space<vmem>>, %arg6: memref<128xi32, #tpu.memory_space<vmem>>, %arg7: memref<16xi32, #tpu.memory_space<vmem>>, %arg8: memref<1xi32, #tpu.memory_space<vmem>>, %arg9: memref<!tpu.dma_semaphore, #tpu.memory_space<semaphore_mem>>) attributes {dimension_semantics = [#tpu.dimension_semantics<core_parallel>, #tpu.dimension_semantics<subcore_parallel>], iteration_bounds = array<i64: 2, 16>, scalar_prefetch = 0 : i64, scratch_operands = 6 : i64, tpu.core_type = #tpu.core_type<sc_vector_subcore>, window_params = [{transform_indices = #map}, {transform_indices = #map1}]} {
    %mul3A = arith.constant 2 : i32
    %mul3A_0 = arith.muli %arg1, %mul3A : i32
    %add3A = arith.addi %mul3A_0, %arg0 : i32
    %scan3A = arith.constant 0 : i32
    %scan3A_1 = arith.constant 1000 : i32
    %scan3A_2 = arith.addi %scan3A, %scan3A_1 : i32
    %scan3A_3 = arith.constant 1 : i32
    scf.for %scan3A_397 = %scan3A to %scan3A_2 step %scan3A_3  : i32 {
      %mul3A_398 = arith.constant 1 : i32
      %mul3A_399 = arith.muli %scan3A_397, %mul3A_398 : i32
      %add3A_400 = arith.constant 0 : i32
      %add3A_401 = arith.addi %add3A_400, %mul3A_399 : i32
      %broadcast_in_dim3A_402 = arith.constant 0.000000e+00 : f32
      %broadcast_in_dim3A_403 = vector.broadcast %broadcast_in_dim3A_402 : f32 to vector<16xf32>
      %swap3A_404 = arith.index_cast %add3A_401 : i32 to index
      %swap3A_405 = arith.constant 0 : index
      %swap3A_406 = tpu.vector_load %arg4[%swap3A_404, %swap3A_405] {strides = array<i32>} : memref<1000x16xf32, #tpu.memory_space<vmem>>, vector<16xf32>,
      tpu.vector_store %arg4[%swap3A_404, %swap3A_405], %broadcast_in_dim3A_403 {strides = array<i32>} : memref<1000x16xf32, #tpu.memory_space<vmem>>, vector<16xf32>,
    }
    %scan3A_4 = arith.constant 1000 : i32
    "tpu.region"() ({
      %run_scoped3A = tpu.sem_alloc : memref<!tpu.dma_semaphore, #tpu.memory_space<semaphore_mem>>
      tpu.enqueue_dma source(%arg2 : memref<128xi32, #tpu.memory_space<hbm>>) target(%arg6 : memref<128xi32, #tpu.memory_space<vmem>>) target_semaphore(%run_scoped3A : memref<!tpu.dma_semaphore, #tpu.memory_space<semaphore_mem>>)
      tpu.wait_dma2 semaphore(%run_scoped3A : memref<!tpu.dma_semaphore, #tpu.memory_space<semaphore_mem>>) src(%arg2 : memref<128xi32, #tpu.memory_space<hbm>>) dst(%arg6 : memref<128xi32, #tpu.memory_space<vmem>>)
      tpu.yield
    }) : () -> ()
    %mul3A_5 = arith.constant 25000 : i32
    %mul3A_6 = arith.muli %add3A, %mul3A_5 : i32
    %add3A_7 = arith.constant 0 : i32
    %add3A_8 = arith.addi %mul3A_6, %add3A_7 : i32
    %dma_start3A = arith.constant 0 : i32
    %dma_start3A_9 = tpu.memref_slice %arg3[%add3A_8, %dma_start3A] : memref<800000x16xf32, #tpu.memory_space<hbm>> -> memref<1000x16xf32, #tpu.memory_space<hbm>>
    %dma_start3A_10 = arith.constant 0 : i32
    %dma_start3A_11 = tpu.memref_slice %arg3[%add3A_8, %dma_start3A_10] : memref<800000x16xf32, #tpu.memory_space<hbm>> -> memref<1000x16xf32, #tpu.memory_space<hbm>>
    tpu.enqueue_dma source(%arg4 : memref<1000x16xf32, #tpu.memory_space<vmem>>) target(%dma_start3A_11 : memref<1000x16xf32, #tpu.memory_space<hbm>>) target_semaphore(%arg9 : memref<!tpu.dma_semaphore, #tpu.memory_space<semaphore_mem>>)
    %add3A_12 = arith.constant 1000 : i32
    %add3A_13 = arith.addi %mul3A_6, %add3A_12 : i32
    %dma_start3A_14 = arith.constant 0 : i32
    %dma_start3A_15 = tpu.memref_slice %arg3[%add3A_13, %dma_start3A_14] : memref<800000x16xf32, #tpu.memory_space<hbm>> -> memref<1000x16xf32, #tpu.memory_space<hbm>>
    %dma_start3A_16 = arith.constant 0 : i32
    %dma_start3A_17 = tpu.memref_slice %arg3[%add3A_13, %dma_start3A_16] : memref<800000x16xf32, #tpu.memory_space<hbm>> -> memref<1000x16xf32, #tpu.memory_space<hbm>>
    tpu.enqueue_dma source(%arg4 : memref<1000x16xf32, #tpu.memory_space<vmem>>) target(%dma_start3A_17 : memref<1000x16xf32, #tpu.memory_space<hbm>>) target_semaphore(%arg9 : memref<!tpu.dma_semaphore, #tpu.memory_space<semaphore_mem>>)
    %add3A_18 = arith.constant 2000 : i32
    %add3A_19 = arith.addi %mul3A_6, %add3A_18 : i32
    %dma_start3A_20 = arith.constant 0 : i32
    %dma_start3A_21 = tpu.memref_slice %arg3[%add3A_19, %dma_start3A_20] : memref<800000x16xf32, #tpu.memory_space<hbm>> -> memref<1000x16xf32, #tpu.memory_space<hbm>>
    %dma_start3A_22 = arith.constant 0 : i32
    %dma_start3A_23 = tpu.memref_slice %arg3[%add3A_19, %dma_start3A_22] : memref<800000x16xf32, #tpu.memory_space<hbm>> -> memref<1000x16xf32, #tpu.memory_space<hbm>>
    tpu.enqueue_dma source(%arg4 : memref<1000x16xf32, #tpu.memory_space<vmem>>) target(%dma_start3A_23 : memref<1000x16xf32, #tpu.memory_space<hbm>>) target_semaphore(%arg9 : memref<!tpu.dma_semaphore, #tpu.memory_space<semaphore_mem>>)
    %add3A_24 = arith.constant 3000 : i32
    %add3A_25 = arith.addi %mul3A_6, %add3A_24 : i32
    %dma_start3A_26 = arith.constant 0 : i32
    %dma_start3A_27 = tpu.memref_slice %arg3[%add3A_25, %dma_start3A_26] : memref<800000x16xf32, #tpu.memory_space<hbm>> -> memref<1000x16xf32, #tpu.memory_space<hbm>>
    %dma_start3A_28 = arith.constant 0 : i32
    %dma_start3A_29 = tpu.memref_slice %arg3[%add3A_25, %dma_start3A_28] : memref<800000x16xf32, #tpu.memory_space<hbm>> -> memref<1000x16xf32, #tpu.memory_space<hbm>>
    tpu.enqueue_dma source(%arg4 : memref<1000x16xf32, #tpu.memory_space<vmem>>) target(%dma_start3A_29 : memref<1000x16xf32, #tpu.memory_space<hbm>>) target_semaphore(%arg9 : memref<!tpu.dma_semaphore, #tpu.memory_space<semaphore_mem>>)
    %add3A_30 = arith.constant 4000 : i32
    %add3A_31 = arith.addi %mul3A_6, %add3A_30 : i32
    %dma_start3A_32 = arith.constant 0 : i32
    %dma_start3A_33 = tpu.memref_slice %arg3[%add3A_31, %dma_start3A_32] : memref<800000x16xf32, #tpu.memory_space<hbm>> -> memref<1000x16xf32, #tpu.memory_space<hbm>>
    %dma_start3A_34 = arith.constant 0 : i32
    %dma_start3A_35 = tpu.memref_slice %arg3[%add3A_31, %dma_start3A_34] : memref<800000x16xf32, #tpu.memory_space<hbm>> -> memref<1000x16xf32, #tpu.memory_space<hbm>>
    tpu.enqueue_dma source(%arg4 : memref<1000x16xf32, #tpu.memory_space<vmem>>) target(%dma_start3A_35 : memref<1000x16xf32, #tpu.memory_space<hbm>>) target_semaphore(%arg9 : memref<!tpu.dma_semaphore, #tpu.memory_space<semaphore_mem>>)
    %add3A_36 = arith.constant 5000 : i32
    %add3A_37 = arith.addi %mul3A_6, %add3A_36 : i32
    %dma_start3A_38 = arith.constant 0 : i32
    %dma_start3A_39 = tpu.memref_slice %arg3[%add3A_37, %dma_start3A_38] : memref<800000x16xf32, #tpu.memory_space<hbm>> -> memref<1000x16xf32, #tpu.memory_space<hbm>>
    %dma_start3A_40 = arith.constant 0 : i32
    %dma_start3A_41 = tpu.memref_slice %arg3[%add3A_37, %dma_start3A_40] : memref<800000x16xf32, #tpu.memory_space<hbm>> -> memref<1000x16xf32, #tpu.memory_space<hbm>>
    tpu.enqueue_dma source(%arg4 : memref<1000x16xf32, #tpu.memory_space<vmem>>) target(%dma_start3A_41 : memref<1000x16xf32, #tpu.memory_space<hbm>>) target_semaphore(%arg9 : memref<!tpu.dma_semaphore, #tpu.memory_space<semaphore_mem>>)
    %add3A_42 = arith.constant 6000 : i32
    %add3A_43 = arith.addi %mul3A_6, %add3A_42 : i32
    %dma_start3A_44 = arith.constant 0 : i32
    %dma_start3A_45 = tpu.memref_slice %arg3[%add3A_43, %dma_start3A_44] : memref<800000x16xf32, #tpu.memory_space<hbm>> -> memref<1000x16xf32, #tpu.memory_space<hbm>>
    %dma_start3A_46 = arith.constant 0 : i32
    %dma_start3A_47 = tpu.memref_slice %arg3[%add3A_43, %dma_start3A_46] : memref<800000x16xf32, #tpu.memory_space<hbm>> -> memref<1000x16xf32, #tpu.memory_space<hbm>>
    tpu.enqueue_dma source(%arg4 : memref<1000x16xf32, #tpu.memory_space<vmem>>) target(%dma_start3A_47 : memref<1000x16xf32, #tpu.memory_space<hbm>>) target_semaphore(%arg9 : memref<!tpu.dma_semaphore, #tpu.memory_space<semaphore_mem>>)
    %add3A_48 = arith.constant 7000 : i32
    %add3A_49 = arith.addi %mul3A_6, %add3A_48 : i32
    %dma_start3A_50 = arith.constant 0 : i32
    %dma_start3A_51 = tpu.memref_slice %arg3[%add3A_49, %dma_start3A_50] : memref<800000x16xf32, #tpu.memory_space<hbm>> -> memref<1000x16xf32, #tpu.memory_space<hbm>>
    %dma_start3A_52 = arith.constant 0 : i32
    %dma_start3A_53 = tpu.memref_slice %arg3[%add3A_49, %dma_start3A_52] : memref<800000x16xf32, #tpu.memory_space<hbm>> -> memref<1000x16xf32, #tpu.memory_space<hbm>>
    tpu.enqueue_dma source(%arg4 : memref<1000x16xf32, #tpu.memory_space<vmem>>) target(%dma_start3A_53 : memref<1000x16xf32, #tpu.memory_space<hbm>>) target_semaphore(%arg9 : memref<!tpu.dma_semaphore, #tpu.memory_space<semaphore_mem>>)
    %add3A_54 = arith.constant 8000 : i32
    %add3A_55 = arith.addi %mul3A_6, %add3A_54 : i32
    %dma_start3A_56 = arith.constant 0 : i32
    %dma_start3A_57 = tpu.memref_slice %arg3[%add3A_55, %dma_start3A_56] : memref<800000x16xf32, #tpu.memory_space<hbm>> -> memref<1000x16xf32, #tpu.memory_space<hbm>>
    %dma_start3A_58 = arith.constant 0 : i32
    %dma_start3A_59 = tpu.memref_slice %arg3[%add3A_55, %dma_start3A_58] : memref<800000x16xf32, #tpu.memory_space<hbm>> -> memref<1000x16xf32, #tpu.memory_space<hbm>>
    tpu.enqueue_dma source(%arg4 : memref<1000x16xf32, #tpu.memory_space<vmem>>) target(%dma_start3A_59 : memref<1000x16xf32, #tpu.memory_space<hbm>>) target_semaphore(%arg9 : memref<!tpu.dma_semaphore, #tpu.memory_space<semaphore_mem>>)
    %add3A_60 = arith.constant 9000 : i32
    %add3A_61 = arith.addi %mul3A_6, %add3A_60 : i32
    %dma_start3A_62 = arith.constant 0 : i32
    %dma_start3A_63 = tpu.memref_slice %arg3[%add3A_61, %dma_start3A_62] : memref<800000x16xf32, #tpu.memory_space<hbm>> -> memref<1000x16xf32, #tpu.memory_space<hbm>>
    %dma_start3A_64 = arith.constant 0 : i32
    %dma_start3A_65 = tpu.memref_slice %arg3[%add3A_61, %dma_start3A_64] : memref<800000x16xf32, #tpu.memory_space<hbm>> -> memref<1000x16xf32, #tpu.memory_space<hbm>>
    tpu.enqueue_dma source(%arg4 : memref<1000x16xf32, #tpu.memory_space<vmem>>) target(%dma_start3A_65 : memref<1000x16xf32, #tpu.memory_space<hbm>>) target_semaphore(%arg9 : memref<!tpu.dma_semaphore, #tpu.memory_space<semaphore_mem>>)
    %add3A_66 = arith.constant 10000 : i32
    %add3A_67 = arith.addi %mul3A_6, %add3A_66 : i32
    %dma_start3A_68 = arith.constant 0 : i32
    %dma_start3A_69 = tpu.memref_slice %arg3[%add3A_67, %dma_start3A_68] : memref<800000x16xf32, #tpu.memory_space<hbm>> -> memref<1000x16xf32, #tpu.memory_space<hbm>>
    %dma_start3A_70 = arith.constant 0 : i32
    %dma_start3A_71 = tpu.memref_slice %arg3[%add3A_67, %dma_start3A_70] : memref<800000x16xf32, #tpu.memory_space<hbm>> -> memref<1000x16xf32, #tpu.memory_space<hbm>>
    tpu.enqueue_dma source(%arg4 : memref<1000x16xf32, #tpu.memory_space<vmem>>) target(%dma_start3A_71 : memref<1000x16xf32, #tpu.memory_space<hbm>>) target_semaphore(%arg9 : memref<!tpu.dma_semaphore, #tpu.memory_space<semaphore_mem>>)
    %add3A_72 = arith.constant 11000 : i32
    %add3A_73 = arith.addi %mul3A_6, %add3A_72 : i32
    %dma_start3A_74 = arith.constant 0 : i32
    %dma_start3A_75 = tpu.memref_slice %arg3[%add3A_73, %dma_start3A_74] : memref<800000x16xf32, #tpu.memory_space<hbm>> -> memref<1000x16xf32, #tpu.memory_space<hbm>>
    %dma_start3A_76 = arith.constant 0 : i32
    %dma_start3A_77 = tpu.memref_slice %arg3[%add3A_73, %dma_start3A_76] : memref<800000x16xf32, #tpu.memory_space<hbm>> -> memref<1000x16xf32, #tpu.memory_space<hbm>>
    tpu.enqueue_dma source(%arg4 : memref<1000x16xf32, #tpu.memory_space<vmem>>) target(%dma_start3A_77 : memref<1000x16xf32, #tpu.memory_space<hbm>>) target_semaphore(%arg9 : memref<!tpu.dma_semaphore, #tpu.memory_space<semaphore_mem>>)
    %add3A_78 = arith.constant 12000 : i32
    %add3A_79 = arith.addi %mul3A_6, %add3A_78 : i32
    %dma_start3A_80 = arith.constant 0 : i32
    %dma_start3A_81 = tpu.memref_slice %arg3[%add3A_79, %dma_start3A_80] : memref<800000x16xf32, #tpu.memory_space<hbm>> -> memref<1000x16xf32, #tpu.memory_space<hbm>>
    %dma_start3A_82 = arith.constant 0 : i32
    %dma_start3A_83 = tpu.memref_slice %arg3[%add3A_79, %dma_start3A_82] : memref<800000x16xf32, #tpu.memory_space<hbm>> -> memref<1000x16xf32, #tpu.memory_space<hbm>>
    tpu.enqueue_dma source(%arg4 : memref<1000x16xf32, #tpu.memory_space<vmem>>) target(%dma_start3A_83 : memref<1000x16xf32, #tpu.memory_space<hbm>>) target_semaphore(%arg9 : memref<!tpu.dma_semaphore, #tpu.memory_space<semaphore_mem>>)
    %add3A_84 = arith.constant 13000 : i32
    %add3A_85 = arith.addi %mul3A_6, %add3A_84 : i32
    %dma_start3A_86 = arith.constant 0 : i32
    %dma_start3A_87 = tpu.memref_slice %arg3[%add3A_85, %dma_start3A_86] : memref<800000x16xf32, #tpu.memory_space<hbm>> -> memref<1000x16xf32, #tpu.memory_space<hbm>>
    %dma_start3A_88 = arith.constant 0 : i32
    %dma_start3A_89 = tpu.memref_slice %arg3[%add3A_85, %dma_start3A_88] : memref<800000x16xf32, #tpu.memory_space<hbm>> -> memref<1000x16xf32, #tpu.memory_space<hbm>>
    tpu.enqueue_dma source(%arg4 : memref<1000x16xf32, #tpu.memory_space<vmem>>) target(%dma_start3A_89 : memref<1000x16xf32, #tpu.memory_space<hbm>>) target_semaphore(%arg9 : memref<!tpu.dma_semaphore, #tpu.memory_space<semaphore_mem>>)
    %add3A_90 = arith.constant 14000 : i32
    %add3A_91 = arith.addi %mul3A_6, %add3A_90 : i32
    %dma_start3A_92 = arith.constant 0 : i32
    %dma_start3A_93 = tpu.memref_slice %arg3[%add3A_91, %dma_start3A_92] : memref<800000x16xf32, #tpu.memory_space<hbm>> -> memref<1000x16xf32, #tpu.memory_space<hbm>>
    %dma_start3A_94 = arith.constant 0 : i32
    %dma_start3A_95 = tpu.memref_slice %arg3[%add3A_91, %dma_start3A_94] : memref<800000x16xf32, #tpu.memory_space<hbm>> -> memref<1000x16xf32, #tpu.memory_space<hbm>>
    tpu.enqueue_dma source(%arg4 : memref<1000x16xf32, #tpu.memory_space<vmem>>) target(%dma_start3A_95 : memref<1000x16xf32, #tpu.memory_space<hbm>>) target_semaphore(%arg9 : memref<!tpu.dma_semaphore, #tpu.memory_space<semaphore_mem>>)
    %add3A_96 = arith.constant 15000 : i32
    %add3A_97 = arith.addi %mul3A_6, %add3A_96 : i32
    %dma_start3A_98 = arith.constant 0 : i32
    %dma_start3A_99 = tpu.memref_slice %arg3[%add3A_97, %dma_start3A_98] : memref<800000x16xf32, #tpu.memory_space<hbm>> -> memref<1000x16xf32, #tpu.memory_space<hbm>>
    %dma_start3A_100 = arith.constant 0 : i32
    %dma_start3A_101 = tpu.memref_slice %arg3[%add3A_97, %dma_start3A_100] : memref<800000x16xf32, #tpu.memory_space<hbm>> -> memref<1000x16xf32, #tpu.memory_space<hbm>>
    tpu.enqueue_dma source(%arg4 : memref<1000x16xf32, #tpu.memory_space<vmem>>) target(%dma_start3A_101 : memref<1000x16xf32, #tpu.memory_space<hbm>>) target_semaphore(%arg9 : memref<!tpu.dma_semaphore, #tpu.memory_space<semaphore_mem>>)
    %add3A_102 = arith.constant 16000 : i32
    %add3A_103 = arith.addi %mul3A_6, %add3A_102 : i32
    %dma_start3A_104 = arith.constant 0 : i32
    %dma_start3A_105 = tpu.memref_slice %arg3[%add3A_103, %dma_start3A_104] : memref<800000x16xf32, #tpu.memory_space<hbm>> -> memref<1000x16xf32, #tpu.memory_space<hbm>>
    %dma_start3A_106 = arith.constant 0 : i32
    %dma_start3A_107 = tpu.memref_slice %arg3[%add3A_103, %dma_start3A_106] : memref<800000x16xf32, #tpu.memory_space<hbm>> -> memref<1000x16xf32, #tpu.memory_space<hbm>>
    tpu.enqueue_dma source(%arg4 : memref<1000x16xf32, #tpu.memory_space<vmem>>) target(%dma_start3A_107 : memref<1000x16xf32, #tpu.memory_space<hbm>>) target_semaphore(%arg9 : memref<!tpu.dma_semaphore, #tpu.memory_space<semaphore_mem>>)
    %add3A_108 = arith.constant 17000 : i32
    %add3A_109 = arith.addi %mul3A_6, %add3A_108 : i32
    %dma_start3A_110 = arith.constant 0 : i32
    %dma_start3A_111 = tpu.memref_slice %arg3[%add3A_109, %dma_start3A_110] : memref<800000x16xf32, #tpu.memory_space<hbm>> -> memref<1000x16xf32, #tpu.memory_space<hbm>>
    %dma_start3A_112 = arith.constant 0 : i32
    %dma_start3A_113 = tpu.memref_slice %arg3[%add3A_109, %dma_start3A_112] : memref<800000x16xf32, #tpu.memory_space<hbm>> -> memref<1000x16xf32, #tpu.memory_space<hbm>>
    tpu.enqueue_dma source(%arg4 : memref<1000x16xf32, #tpu.memory_space<vmem>>) target(%dma_start3A_113 : memref<1000x16xf32, #tpu.memory_space<hbm>>) target_semaphore(%arg9 : memref<!tpu.dma_semaphore, #tpu.memory_space<semaphore_mem>>)
    %add3A_114 = arith.constant 18000 : i32
    %add3A_115 = arith.addi %mul3A_6, %add3A_114 : i32
    %dma_start3A_116 = arith.constant 0 : i32
    %dma_start3A_117 = tpu.memref_slice %arg3[%add3A_115, %dma_start3A_116] : memref<800000x16xf32, #tpu.memory_space<hbm>> -> memref<1000x16xf32, #tpu.memory_space<hbm>>
    %dma_start3A_118 = arith.constant 0 : i32
    %dma_start3A_119 = tpu.memref_slice %arg3[%add3A_115, %dma_start3A_118] : memref<800000x16xf32, #tpu.memory_space<hbm>> -> memref<1000x16xf32, #tpu.memory_space<hbm>>
    tpu.enqueue_dma source(%arg4 : memref<1000x16xf32, #tpu.memory_space<vmem>>) target(%dma_start3A_119 : memref<1000x16xf32, #tpu.memory_space<hbm>>) target_semaphore(%arg9 : memref<!tpu.dma_semaphore, #tpu.memory_space<semaphore_mem>>)
    %add3A_120 = arith.constant 19000 : i32
    %add3A_121 = arith.addi %mul3A_6, %add3A_120 : i32
    %dma_start3A_122 = arith.constant 0 : i32
    %dma_start3A_123 = tpu.memref_slice %arg3[%add3A_121, %dma_start3A_122] : memref<800000x16xf32, #tpu.memory_space<hbm>> -> memref<1000x16xf32, #tpu.memory_space<hbm>>
    %dma_start3A_124 = arith.constant 0 : i32
    %dma_start3A_125 = tpu.memref_slice %arg3[%add3A_121, %dma_start3A_124] : memref<800000x16xf32, #tpu.memory_space<hbm>> -> memref<1000x16xf32, #tpu.memory_space<hbm>>
    tpu.enqueue_dma source(%arg4 : memref<1000x16xf32, #tpu.memory_space<vmem>>) target(%dma_start3A_125 : memref<1000x16xf32, #tpu.memory_space<hbm>>) target_semaphore(%arg9 : memref<!tpu.dma_semaphore, #tpu.memory_space<semaphore_mem>>)
    %add3A_126 = arith.constant 20000 : i32
    %add3A_127 = arith.addi %mul3A_6, %add3A_126 : i32
    %dma_start3A_128 = arith.constant 0 : i32
    %dma_start3A_129 = tpu.memref_slice %arg3[%add3A_127, %dma_start3A_128] : memref<800000x16xf32, #tpu.memory_space<hbm>> -> memref<1000x16xf32, #tpu.memory_space<hbm>>
    %dma_start3A_130 = arith.constant 0 : i32
    %dma_start3A_131 = tpu.memref_slice %arg3[%add3A_127, %dma_start3A_130] : memref<800000x16xf32, #tpu.memory_space<hbm>> -> memref<1000x16xf32, #tpu.memory_space<hbm>>
    tpu.enqueue_dma source(%arg4 : memref<1000x16xf32, #tpu.memory_space<vmem>>) target(%dma_start3A_131 : memref<1000x16xf32, #tpu.memory_space<hbm>>) target_semaphore(%arg9 : memref<!tpu.dma_semaphore, #tpu.memory_space<semaphore_mem>>)
    %add3A_132 = arith.constant 21000 : i32
    %add3A_133 = arith.addi %mul3A_6, %add3A_132 : i32
    %dma_start3A_134 = arith.constant 0 : i32
    %dma_start3A_135 = tpu.memref_slice %arg3[%add3A_133, %dma_start3A_134] : memref<800000x16xf32, #tpu.memory_space<hbm>> -> memref<1000x16xf32, #tpu.memory_space<hbm>>
    %dma_start3A_136 = arith.constant 0 : i32
    %dma_start3A_137 = tpu.memref_slice %arg3[%add3A_133, %dma_start3A_136] : memref<800000x16xf32, #tpu.memory_space<hbm>> -> memref<1000x16xf32, #tpu.memory_space<hbm>>
    tpu.enqueue_dma source(%arg4 : memref<1000x16xf32, #tpu.memory_space<vmem>>) target(%dma_start3A_137 : memref<1000x16xf32, #tpu.memory_space<hbm>>) target_semaphore(%arg9 : memref<!tpu.dma_semaphore, #tpu.memory_space<semaphore_mem>>)
    %add3A_138 = arith.constant 22000 : i32
    %add3A_139 = arith.addi %mul3A_6, %add3A_138 : i32
    %dma_start3A_140 = arith.constant 0 : i32
    %dma_start3A_141 = tpu.memref_slice %arg3[%add3A_139, %dma_start3A_140] : memref<800000x16xf32, #tpu.memory_space<hbm>> -> memref<1000x16xf32, #tpu.memory_space<hbm>>
    %dma_start3A_142 = arith.constant 0 : i32
    %dma_start3A_143 = tpu.memref_slice %arg3[%add3A_139, %dma_start3A_142] : memref<800000x16xf32, #tpu.memory_space<hbm>> -> memref<1000x16xf32, #tpu.memory_space<hbm>>
    tpu.enqueue_dma source(%arg4 : memref<1000x16xf32, #tpu.memory_space<vmem>>) target(%dma_start3A_143 : memref<1000x16xf32, #tpu.memory_space<hbm>>) target_semaphore(%arg9 : memref<!tpu.dma_semaphore, #tpu.memory_space<semaphore_mem>>)
    %add3A_144 = arith.constant 23000 : i32
    %add3A_145 = arith.addi %mul3A_6, %add3A_144 : i32
    %dma_start3A_146 = arith.constant 0 : i32
    %dma_start3A_147 = tpu.memref_slice %arg3[%add3A_145, %dma_start3A_146] : memref<800000x16xf32, #tpu.memory_space<hbm>> -> memref<1000x16xf32, #tpu.memory_space<hbm>>
    %dma_start3A_148 = arith.constant 0 : i32
    %dma_start3A_149 = tpu.memref_slice %arg3[%add3A_145, %dma_start3A_148] : memref<800000x16xf32, #tpu.memory_space<hbm>> -> memref<1000x16xf32, #tpu.memory_space<hbm>>
    tpu.enqueue_dma source(%arg4 : memref<1000x16xf32, #tpu.memory_space<vmem>>) target(%dma_start3A_149 : memref<1000x16xf32, #tpu.memory_space<hbm>>) target_semaphore(%arg9 : memref<!tpu.dma_semaphore, #tpu.memory_space<semaphore_mem>>)
    %add3A_150 = arith.constant 24000 : i32
    %add3A_151 = arith.addi %mul3A_6, %add3A_150 : i32
    %dma_start3A_152 = arith.constant 0 : i32
    %dma_start3A_153 = tpu.memref_slice %arg3[%add3A_151, %dma_start3A_152] : memref<800000x16xf32, #tpu.memory_space<hbm>> -> memref<1000x16xf32, #tpu.memory_space<hbm>>
    %dma_start3A_154 = arith.constant 0 : i32
    %dma_start3A_155 = tpu.memref_slice %arg3[%add3A_151, %dma_start3A_154] : memref<800000x16xf32, #tpu.memory_space<hbm>> -> memref<1000x16xf32, #tpu.memory_space<hbm>>
    tpu.enqueue_dma source(%arg4 : memref<1000x16xf32, #tpu.memory_space<vmem>>) target(%dma_start3A_155 : memref<1000x16xf32, #tpu.memory_space<hbm>>) target_semaphore(%arg9 : memref<!tpu.dma_semaphore, #tpu.memory_space<semaphore_mem>>)
    %dma_wait3A = arith.constant 0 : i32
    %dma_wait3A_156 = tpu.memref_slice %arg3[%add3A_8, %dma_wait3A] : memref<800000x16xf32, #tpu.memory_space<hbm>> -> memref<1000x16xf32, #tpu.memory_space<hbm>>
    %dma_wait3A_157 = arith.constant 0 : i32
    %dma_wait3A_158 = tpu.memref_slice %arg3[%add3A_8, %dma_wait3A_157] : memref<800000x16xf32, #tpu.memory_space<hbm>> -> memref<1000x16xf32, #tpu.memory_space<hbm>>
    tpu.wait_dma2 semaphore(%arg9 : memref<!tpu.dma_semaphore, #tpu.memory_space<semaphore_mem>>) src(%arg4 : memref<1000x16xf32, #tpu.memory_space<vmem>>) dst(%dma_wait3A_158 : memref<1000x16xf32, #tpu.memory_space<hbm>>)
    %dma_wait3A_159 = arith.constant 0 : i32
    %dma_wait3A_160 = tpu.memref_slice %arg3[%add3A_13, %dma_wait3A_159] : memref<800000x16xf32, #tpu.memory_space<hbm>> -> memref<1000x16xf32, #tpu.memory_space<hbm>>
    %dma_wait3A_161 = arith.constant 0 : i32
    %dma_wait3A_162 = tpu.memref_slice %arg3[%add3A_13, %dma_wait3A_161] : memref<800000x16xf32, #tpu.memory_space<hbm>> -> memref<1000x16xf32, #tpu.memory_space<hbm>>
    tpu.wait_dma2 semaphore(%arg9 : memref<!tpu.dma_semaphore, #tpu.memory_space<semaphore_mem>>) src(%arg4 : memref<1000x16xf32, #tpu.memory_space<vmem>>) dst(%dma_wait3A_162 : memref<1000x16xf32, #tpu.memory_space<hbm>>)
    %dma_wait3A_163 = arith.constant 0 : i32
    %dma_wait3A_164 = tpu.memref_slice %arg3[%add3A_19, %dma_wait3A_163] : memref<800000x16xf32, #tpu.memory_space<hbm>> -> memref<1000x16xf32, #tpu.memory_space<hbm>>
    %dma_wait3A_165 = arith.constant 0 : i32
    %dma_wait3A_166 = tpu.memref_slice %arg3[%add3A_19, %dma_wait3A_165] : memref<800000x16xf32, #tpu.memory_space<hbm>> -> memref<1000x16xf32, #tpu.memory_space<hbm>>
    tpu.wait_dma2 semaphore(%arg9 : memref<!tpu.dma_semaphore, #tpu.memory_space<semaphore_mem>>) src(%arg4 : memref<1000x16xf32, #tpu.memory_space<vmem>>) dst(%dma_wait3A_166 : memref<1000x16xf32, #tpu.memory_space<hbm>>)
    %dma_wait3A_167 = arith.constant 0 : i32
    %dma_wait3A_168 = tpu.memref_slice %arg3[%add3A_25, %dma_wait3A_167] : memref<800000x16xf32, #tpu.memory_space<hbm>> -> memref<1000x16xf32, #tpu.memory_space<hbm>>
    %dma_wait3A_169 = arith.constant 0 : i32
    %dma_wait3A_170 = tpu.memref_slice %arg3[%add3A_25, %dma_wait3A_169] : memref<800000x16xf32, #tpu.memory_space<hbm>> -> memref<1000x16xf32, #tpu.memory_space<hbm>>
    tpu.wait_dma2 semaphore(%arg9 : memref<!tpu.dma_semaphore, #tpu.memory_space<semaphore_mem>>) src(%arg4 : memref<1000x16xf32, #tpu.memory_space<vmem>>) dst(%dma_wait3A_170 : memref<1000x16xf32, #tpu.memory_space<hbm>>)
    %dma_wait3A_171 = arith.constant 0 : i32
    %dma_wait3A_172 = tpu.memref_slice %arg3[%add3A_31, %dma_wait3A_171] : memref<800000x16xf32, #tpu.memory_space<hbm>> -> memref<1000x16xf32, #tpu.memory_space<hbm>>
    %dma_wait3A_173 = arith.constant 0 : i32
    %dma_wait3A_174 = tpu.memref_slice %arg3[%add3A_31, %dma_wait3A_173] : memref<800000x16xf32, #tpu.memory_space<hbm>> -> memref<1000x16xf32, #tpu.memory_space<hbm>>
    tpu.wait_dma2 semaphore(%arg9 : memref<!tpu.dma_semaphore, #tpu.memory_space<semaphore_mem>>) src(%arg4 : memref<1000x16xf32, #tpu.memory_space<vmem>>) dst(%dma_wait3A_174 : memref<1000x16xf32, #tpu.memory_space<hbm>>)
    %dma_wait3A_175 = arith.constant 0 : i32
    %dma_wait3A_176 = tpu.memref_slice %arg3[%add3A_37, %dma_wait3A_175] : memref<800000x16xf32, #tpu.memory_space<hbm>> -> memref<1000x16xf32, #tpu.memory_space<hbm>>
    %dma_wait3A_177 = arith.constant 0 : i32
    %dma_wait3A_178 = tpu.memref_slice %arg3[%add3A_37, %dma_wait3A_177] : memref<800000x16xf32, #tpu.memory_space<hbm>> -> memref<1000x16xf32, #tpu.memory_space<hbm>>
    tpu.wait_dma2 semaphore(%arg9 : memref<!tpu.dma_semaphore, #tpu.memory_space<semaphore_mem>>) src(%arg4 : memref<1000x16xf32, #tpu.memory_space<vmem>>) dst(%dma_wait3A_178 : memref<1000x16xf32, #tpu.memory_space<hbm>>)
    %dma_wait3A_179 = arith.constant 0 : i32
    %dma_wait3A_180 = tpu.memref_slice %arg3[%add3A_43, %dma_wait3A_179] : memref<800000x16xf32, #tpu.memory_space<hbm>> -> memref<1000x16xf32, #tpu.memory_space<hbm>>
    %dma_wait3A_181 = arith.constant 0 : i32
    %dma_wait3A_182 = tpu.memref_slice %arg3[%add3A_43, %dma_wait3A_181] : memref<800000x16xf32, #tpu.memory_space<hbm>> -> memref<1000x16xf32, #tpu.memory_space<hbm>>
    tpu.wait_dma2 semaphore(%arg9 : memref<!tpu.dma_semaphore, #tpu.memory_space<semaphore_mem>>) src(%arg4 : memref<1000x16xf32, #tpu.memory_space<vmem>>) dst(%dma_wait3A_182 : memref<1000x16xf32, #tpu.memory_space<hbm>>)
    %dma_wait3A_183 = arith.constant 0 : i32
    %dma_wait3A_184 = tpu.memref_slice %arg3[%add3A_49, %dma_wait3A_183] : memref<800000x16xf32, #tpu.memory_space<hbm>> -> memref<1000x16xf32, #tpu.memory_space<hbm>>
    %dma_wait3A_185 = arith.constant 0 : i32
    %dma_wait3A_186 = tpu.memref_slice %arg3[%add3A_49, %dma_wait3A_185] : memref<800000x16xf32, #tpu.memory_space<hbm>> -> memref<1000x16xf32, #tpu.memory_space<hbm>>
    tpu.wait_dma2 semaphore(%arg9 : memref<!tpu.dma_semaphore, #tpu.memory_space<semaphore_mem>>) src(%arg4 : memref<1000x16xf32, #tpu.memory_space<vmem>>) dst(%dma_wait3A_186 : memref<1000x16xf32, #tpu.memory_space<hbm>>)
    %dma_wait3A_187 = arith.constant 0 : i32
    %dma_wait3A_188 = tpu.memref_slice %arg3[%add3A_55, %dma_wait3A_187] : memref<800000x16xf32, #tpu.memory_space<hbm>> -> memref<1000x16xf32, #tpu.memory_space<hbm>>
    %dma_wait3A_189 = arith.constant 0 : i32
    %dma_wait3A_190 = tpu.memref_slice %arg3[%add3A_55, %dma_wait3A_189] : memref<800000x16xf32, #tpu.memory_space<hbm>> -> memref<1000x16xf32, #tpu.memory_space<hbm>>
    tpu.wait_dma2 semaphore(%arg9 : memref<!tpu.dma_semaphore, #tpu.memory_space<semaphore_mem>>) src(%arg4 : memref<1000x16xf32, #tpu.memory_space<vmem>>) dst(%dma_wait3A_190 : memref<1000x16xf32, #tpu.memory_space<hbm>>)
    %dma_wait3A_191 = arith.constant 0 : i32
    %dma_wait3A_192 = tpu.memref_slice %arg3[%add3A_61, %dma_wait3A_191] : memref<800000x16xf32, #tpu.memory_space<hbm>> -> memref<1000x16xf32, #tpu.memory_space<hbm>>
    %dma_wait3A_193 = arith.constant 0 : i32
    %dma_wait3A_194 = tpu.memref_slice %arg3[%add3A_61, %dma_wait3A_193] : memref<800000x16xf32, #tpu.memory_space<hbm>> -> memref<1000x16xf32, #tpu.memory_space<hbm>>
    tpu.wait_dma2 semaphore(%arg9 : memref<!tpu.dma_semaphore, #tpu.memory_space<semaphore_mem>>) src(%arg4 : memref<1000x16xf32, #tpu.memory_space<vmem>>) dst(%dma_wait3A_194 : memref<1000x16xf32, #tpu.memory_space<hbm>>)
    %dma_wait3A_195 = arith.constant 0 : i32
    %dma_wait3A_196 = tpu.memref_slice %arg3[%add3A_67, %dma_wait3A_195] : memref<800000x16xf32, #tpu.memory_space<hbm>> -> memref<1000x16xf32, #tpu.memory_space<hbm>>
    %dma_wait3A_197 = arith.constant 0 : i32
    %dma_wait3A_198 = tpu.memref_slice %arg3[%add3A_67, %dma_wait3A_197] : memref<800000x16xf32, #tpu.memory_space<hbm>> -> memref<1000x16xf32, #tpu.memory_space<hbm>>
    tpu.wait_dma2 semaphore(%arg9 : memref<!tpu.dma_semaphore, #tpu.memory_space<semaphore_mem>>) src(%arg4 : memref<1000x16xf32, #tpu.memory_space<vmem>>) dst(%dma_wait3A_198 : memref<1000x16xf32, #tpu.memory_space<hbm>>)
    %dma_wait3A_199 = arith.constant 0 : i32
    %dma_wait3A_200 = tpu.memref_slice %arg3[%add3A_73, %dma_wait3A_199] : memref<800000x16xf32, #tpu.memory_space<hbm>> -> memref<1000x16xf32, #tpu.memory_space<hbm>>
    %dma_wait3A_201 = arith.constant 0 : i32
    %dma_wait3A_202 = tpu.memref_slice %arg3[%add3A_73, %dma_wait3A_201] : memref<800000x16xf32, #tpu.memory_space<hbm>> -> memref<1000x16xf32, #tpu.memory_space<hbm>>
    tpu.wait_dma2 semaphore(%arg9 : memref<!tpu.dma_semaphore, #tpu.memory_space<semaphore_mem>>) src(%arg4 : memref<1000x16xf32, #tpu.memory_space<vmem>>) dst(%dma_wait3A_202 : memref<1000x16xf32, #tpu.memory_space<hbm>>)
    %dma_wait3A_203 = arith.constant 0 : i32
    %dma_wait3A_204 = tpu.memref_slice %arg3[%add3A_79, %dma_wait3A_203] : memref<800000x16xf32, #tpu.memory_space<hbm>> -> memref<1000x16xf32, #tpu.memory_space<hbm>>
    %dma_wait3A_205 = arith.constant 0 : i32
    %dma_wait3A_206 = tpu.memref_slice %arg3[%add3A_79, %dma_wait3A_205] : memref<800000x16xf32, #tpu.memory_space<hbm>> -> memref<1000x16xf32, #tpu.memory_space<hbm>>
    tpu.wait_dma2 semaphore(%arg9 : memref<!tpu.dma_semaphore, #tpu.memory_space<semaphore_mem>>) src(%arg4 : memref<1000x16xf32, #tpu.memory_space<vmem>>) dst(%dma_wait3A_206 : memref<1000x16xf32, #tpu.memory_space<hbm>>)
    %dma_wait3A_207 = arith.constant 0 : i32
    %dma_wait3A_208 = tpu.memref_slice %arg3[%add3A_85, %dma_wait3A_207] : memref<800000x16xf32, #tpu.memory_space<hbm>> -> memref<1000x16xf32, #tpu.memory_space<hbm>>
    %dma_wait3A_209 = arith.constant 0 : i32
    %dma_wait3A_210 = tpu.memref_slice %arg3[%add3A_85, %dma_wait3A_209] : memref<800000x16xf32, #tpu.memory_space<hbm>> -> memref<1000x16xf32, #tpu.memory_space<hbm>>
    tpu.wait_dma2 semaphore(%arg9 : memref<!tpu.dma_semaphore, #tpu.memory_space<semaphore_mem>>) src(%arg4 : memref<1000x16xf32, #tpu.memory_space<vmem>>) dst(%dma_wait3A_210 : memref<1000x16xf32, #tpu.memory_space<hbm>>)
    %dma_wait3A_211 = arith.constant 0 : i32
    %dma_wait3A_212 = tpu.memref_slice %arg3[%add3A_91, %dma_wait3A_211] : memref<800000x16xf32, #tpu.memory_space<hbm>> -> memref<1000x16xf32, #tpu.memory_space<hbm>>
    %dma_wait3A_213 = arith.constant 0 : i32
    %dma_wait3A_214 = tpu.memref_slice %arg3[%add3A_91, %dma_wait3A_213] : memref<800000x16xf32, #tpu.memory_space<hbm>> -> memref<1000x16xf32, #tpu.memory_space<hbm>>
    tpu.wait_dma2 semaphore(%arg9 : memref<!tpu.dma_semaphore, #tpu.memory_space<semaphore_mem>>) src(%arg4 : memref<1000x16xf32, #tpu.memory_space<vmem>>) dst(%dma_wait3A_214 : memref<1000x16xf32, #tpu.memory_space<hbm>>)
    %dma_wait3A_215 = arith.constant 0 : i32
    %dma_wait3A_216 = tpu.memref_slice %arg3[%add3A_97, %dma_wait3A_215] : memref<800000x16xf32, #tpu.memory_space<hbm>> -> memref<1000x16xf32, #tpu.memory_space<hbm>>
    %dma_wait3A_217 = arith.constant 0 : i32
    %dma_wait3A_218 = tpu.memref_slice %arg3[%add3A_97, %dma_wait3A_217] : memref<800000x16xf32, #tpu.memory_space<hbm>> -> memref<1000x16xf32, #tpu.memory_space<hbm>>
    tpu.wait_dma2 semaphore(%arg9 : memref<!tpu.dma_semaphore, #tpu.memory_space<semaphore_mem>>) src(%arg4 : memref<1000x16xf32, #tpu.memory_space<vmem>>) dst(%dma_wait3A_218 : memref<1000x16xf32, #tpu.memory_space<hbm>>)
    %dma_wait3A_219 = arith.constant 0 : i32
    %dma_wait3A_220 = tpu.memref_slice %arg3[%add3A_103, %dma_wait3A_219] : memref<800000x16xf32, #tpu.memory_space<hbm>> -> memref<1000x16xf32, #tpu.memory_space<hbm>>
    %dma_wait3A_221 = arith.constant 0 : i32
    %dma_wait3A_222 = tpu.memref_slice %arg3[%add3A_103, %dma_wait3A_221] : memref<800000x16xf32, #tpu.memory_space<hbm>> -> memref<1000x16xf32, #tpu.memory_space<hbm>>
    tpu.wait_dma2 semaphore(%arg9 : memref<!tpu.dma_semaphore, #tpu.memory_space<semaphore_mem>>) src(%arg4 : memref<1000x16xf32, #tpu.memory_space<vmem>>) dst(%dma_wait3A_222 : memref<1000x16xf32, #tpu.memory_space<hbm>>)
    %dma_wait3A_223 = arith.constant 0 : i32
    %dma_wait3A_224 = tpu.memref_slice %arg3[%add3A_109, %dma_wait3A_223] : memref<800000x16xf32, #tpu.memory_space<hbm>> -> memref<1000x16xf32, #tpu.memory_space<hbm>>
    %dma_wait3A_225 = arith.constant 0 : i32
    %dma_wait3A_226 = tpu.memref_slice %arg3[%add3A_109, %dma_wait3A_225] : memref<800000x16xf32, #tpu.memory_space<hbm>> -> memref<1000x16xf32, #tpu.memory_space<hbm>>
    tpu.wait_dma2 semaphore(%arg9 : memref<!tpu.dma_semaphore, #tpu.memory_space<semaphore_mem>>) src(%arg4 : memref<1000x16xf32, #tpu.memory_space<vmem>>) dst(%dma_wait3A_226 : memref<1000x16xf32, #tpu.memory_space<hbm>>)
    %dma_wait3A_227 = arith.constant 0 : i32
    %dma_wait3A_228 = tpu.memref_slice %arg3[%add3A_115, %dma_wait3A_227] : memref<800000x16xf32, #tpu.memory_space<hbm>> -> memref<1000x16xf32, #tpu.memory_space<hbm>>
    %dma_wait3A_229 = arith.constant 0 : i32
    %dma_wait3A_230 = tpu.memref_slice %arg3[%add3A_115, %dma_wait3A_229] : memref<800000x16xf32, #tpu.memory_space<hbm>> -> memref<1000x16xf32, #tpu.memory_space<hbm>>
    tpu.wait_dma2 semaphore(%arg9 : memref<!tpu.dma_semaphore, #tpu.memory_space<semaphore_mem>>) src(%arg4 : memref<1000x16xf32, #tpu.memory_space<vmem>>) dst(%dma_wait3A_230 : memref<1000x16xf32, #tpu.memory_space<hbm>>)
    %dma_wait3A_231 = arith.constant 0 : i32
    %dma_wait3A_232 = tpu.memref_slice %arg3[%add3A_121, %dma_wait3A_231] : memref<800000x16xf32, #tpu.memory_space<hbm>> -> memref<1000x16xf32, #tpu.memory_space<hbm>>
    %dma_wait3A_233 = arith.constant 0 : i32
    %dma_wait3A_234 = tpu.memref_slice %arg3[%add3A_121, %dma_wait3A_233] : memref<800000x16xf32, #tpu.memory_space<hbm>> -> memref<1000x16xf32, #tpu.memory_space<hbm>>
    tpu.wait_dma2 semaphore(%arg9 : memref<!tpu.dma_semaphore, #tpu.memory_space<semaphore_mem>>) src(%arg4 : memref<1000x16xf32, #tpu.memory_space<vmem>>) dst(%dma_wait3A_234 : memref<1000x16xf32, #tpu.memory_space<hbm>>)
    %dma_wait3A_235 = arith.constant 0 : i32
    %dma_wait3A_236 = tpu.memref_slice %arg3[%add3A_127, %dma_wait3A_235] : memref<800000x16xf32, #tpu.memory_space<hbm>> -> memref<1000x16xf32, #tpu.memory_space<hbm>>
    %dma_wait3A_237 = arith.constant 0 : i32
    %dma_wait3A_238 = tpu.memref_slice %arg3[%add3A_127, %dma_wait3A_237] : memref<800000x16xf32, #tpu.memory_space<hbm>> -> memref<1000x16xf32, #tpu.memory_space<hbm>>
    tpu.wait_dma2 semaphore(%arg9 : memref<!tpu.dma_semaphore, #tpu.memory_space<semaphore_mem>>) src(%arg4 : memref<1000x16xf32, #tpu.memory_space<vmem>>) dst(%dma_wait3A_238 : memref<1000x16xf32, #tpu.memory_space<hbm>>)
    %dma_wait3A_239 = arith.constant 0 : i32
    %dma_wait3A_240 = tpu.memref_slice %arg3[%add3A_133, %dma_wait3A_239] : memref<800000x16xf32, #tpu.memory_space<hbm>> -> memref<1000x16xf32, #tpu.memory_space<hbm>>
    %dma_wait3A_241 = arith.constant 0 : i32
    %dma_wait3A_242 = tpu.memref_slice %arg3[%add3A_133, %dma_wait3A_241] : memref<800000x16xf32, #tpu.memory_space<hbm>> -> memref<1000x16xf32, #tpu.memory_space<hbm>>
    tpu.wait_dma2 semaphore(%arg9 : memref<!tpu.dma_semaphore, #tpu.memory_space<semaphore_mem>>) src(%arg4 : memref<1000x16xf32, #tpu.memory_space<vmem>>) dst(%dma_wait3A_242 : memref<1000x16xf32, #tpu.memory_space<hbm>>)
    %dma_wait3A_243 = arith.constant 0 : i32
    %dma_wait3A_244 = tpu.memref_slice %arg3[%add3A_139, %dma_wait3A_243] : memref<800000x16xf32, #tpu.memory_space<hbm>> -> memref<1000x16xf32, #tpu.memory_space<hbm>>
    %dma_wait3A_245 = arith.constant 0 : i32
    %dma_wait3A_246 = tpu.memref_slice %arg3[%add3A_139, %dma_wait3A_245] : memref<800000x16xf32, #tpu.memory_space<hbm>> -> memref<1000x16xf32, #tpu.memory_space<hbm>>
    tpu.wait_dma2 semaphore(%arg9 : memref<!tpu.dma_semaphore, #tpu.memory_space<semaphore_mem>>) src(%arg4 : memref<1000x16xf32, #tpu.memory_space<vmem>>) dst(%dma_wait3A_246 : memref<1000x16xf32, #tpu.memory_space<hbm>>)
    %dma_wait3A_247 = arith.constant 0 : i32
    %dma_wait3A_248 = tpu.memref_slice %arg3[%add3A_145, %dma_wait3A_247] : memref<800000x16xf32, #tpu.memory_space<hbm>> -> memref<1000x16xf32, #tpu.memory_space<hbm>>
    %dma_wait3A_249 = arith.constant 0 : i32
    %dma_wait3A_250 = tpu.memref_slice %arg3[%add3A_145, %dma_wait3A_249] : memref<800000x16xf32, #tpu.memory_space<hbm>> -> memref<1000x16xf32, #tpu.memory_space<hbm>>
    tpu.wait_dma2 semaphore(%arg9 : memref<!tpu.dma_semaphore, #tpu.memory_space<semaphore_mem>>) src(%arg4 : memref<1000x16xf32, #tpu.memory_space<vmem>>) dst(%dma_wait3A_250 : memref<1000x16xf32, #tpu.memory_space<hbm>>)
    %dma_wait3A_251 = arith.constant 0 : i32
    %dma_wait3A_252 = tpu.memref_slice %arg3[%add3A_151, %dma_wait3A_251] : memref<800000x16xf32, #tpu.memory_space<hbm>> -> memref<1000x16xf32, #tpu.memory_space<hbm>>
    %dma_wait3A_253 = arith.constant 0 : i32
    %dma_wait3A_254 = tpu.memref_slice %arg3[%add3A_151, %dma_wait3A_253] : memref<800000x16xf32, #tpu.memory_space<hbm>> -> memref<1000x16xf32, #tpu.memory_space<hbm>>
    tpu.wait_dma2 semaphore(%arg9 : memref<!tpu.dma_semaphore, #tpu.memory_space<semaphore_mem>>) src(%arg4 : memref<1000x16xf32, #tpu.memory_space<vmem>>) dst(%dma_wait3A_254 : memref<1000x16xf32, #tpu.memory_space<hbm>>)
    %iota3A = tpu.iota {dimensions = array<i32: 0>} : vector<16xi32>
    %jit3A = arith.constant 4 : i32
    %div3A = arith.divsi %add3A, %jit3A : i32
    %sign3A = arith.constant 0 : i32
    %sign3A_255 = arith.cmpi sgt, %add3A, %sign3A : i32
    %sign3A_256 = arith.extui %sign3A_255 : i1 to i32
    %sign3A_257 = arith.constant 0 : i32
    %sign3A_258 = arith.cmpi slt, %add3A, %sign3A_257 : i32
    %sign3A_259 = arith.extui %sign3A_258 : i1 to i32
    %sign3A_260 = arith.subi %sign3A_256, %sign3A_259 : i32
    %sign3A_261 = arith.constant 0 : i32
    %sign3A_262 = arith.cmpi sgt, %jit3A, %sign3A_261 : i32
    %sign3A_263 = arith.extui %sign3A_262 : i1 to i32
    %sign3A_264 = arith.constant 0 : i32
    %sign3A_265 = arith.cmpi slt, %jit3A, %sign3A_264 : i32
    %sign3A_266 = arith.extui %sign3A_265 : i1 to i32
    %sign3A_267 = arith.subi %sign3A_263, %sign3A_266 : i32
    %ne3A = arith.cmpi ne, %sign3A_260, %sign3A_267 : i32
    %rem3A = arith.remsi %add3A, %jit3A : i32
    %ne3A_268 = arith.constant 0 : i32
    %ne3A_269 = arith.cmpi ne, %rem3A, %ne3A_268 : i32
    %and3A = arith.andi %ne3A, %ne3A_269 : i1
    %sub3A = arith.constant 1 : i32
    %sub3A_270 = arith.subi %div3A, %sub3A : i32
    %select_n3A = arith.select %and3A, %sub3A_270, %div3A : i32
    %mul3A_271 = arith.constant 16 : i32
    %mul3A_272 = arith.muli %select_n3A, %mul3A_271 : i32
    "tpu.region"() ({
      %run_scoped3A = tpu.sem_alloc : memref<!tpu.dma_semaphore, #tpu.memory_space<semaphore_mem>>
      %dma_start3A_397 = tpu.memref_slice %arg2[%mul3A_272] : memref<128xi32, #tpu.memory_space<hbm>> -> memref<16xi32, #tpu.memory_space<hbm>>
      %dma_start3A_398 = tpu.memref_slice %arg2[%mul3A_272] : memref<128xi32, #tpu.memory_space<hbm>> -> memref<16xi32, #tpu.memory_space<hbm>>
      tpu.enqueue_dma source(%dma_start3A_398 : memref<16xi32, #tpu.memory_space<hbm>>) target(%arg7 : memref<16xi32, #tpu.memory_space<vmem>>) target_semaphore(%run_scoped3A : memref<!tpu.dma_semaphore, #tpu.memory_space<semaphore_mem>>)
      %dma_wait3A_399 = tpu.memref_slice %arg2[%mul3A_272] : memref<128xi32, #tpu.memory_space<hbm>> -> memref<16xi32, #tpu.memory_space<hbm>>
      %dma_wait3A_400 = tpu.memref_slice %arg2[%mul3A_272] : memref<128xi32, #tpu.memory_space<hbm>> -> memref<16xi32, #tpu.memory_space<hbm>>
      tpu.wait_dma2 semaphore(%run_scoped3A : memref<!tpu.dma_semaphore, #tpu.memory_space<semaphore_mem>>) src(%dma_wait3A_400 : memref<16xi32, #tpu.memory_space<hbm>>) dst(%arg7 : memref<16xi32, #tpu.memory_space<vmem>>)
      tpu.yield
    }) : () -> ()
    %get3A = arith.constant 0 : index
    %get3A_273 = tpu.vector_load %arg7[%get3A] {strides = array<i32>} : memref<16xi32, #tpu.memory_space<vmem>>, vector<16xi32>,
    %mul3A_274 = arith.constant 16 : i32
    %mul3A_275 = arith.muli %select_n3A, %mul3A_274 : i32
    %add3A_276 = vector.broadcast %mul3A_275 : i32 to vector<16xi32>
    %add3A_277 = arith.addi %iota3A, %add3A_276 : vector<16xi32>
    %mul3A_278 = arith.constant 100000 : i32
    %mul3A_279 = vector.broadcast %mul3A_278 : i32 to vector<16xi32>
    %mul3A_280 = arith.muli %add3A_277, %mul3A_279 : vector<16xi32>
    %add3A_281 = arith.addi %mul3A_280, %get3A_273 : vector<16xi32>
    %shift_right_logical3A = arith.constant 4 : i32
    %shift_right_logical3A_282 = vector.broadcast %shift_right_logical3A : i32 to vector<16xi32>
    %shift_right_logical3A_283 = arith.shrui %add3A_281, %shift_right_logical3A_282 : vector<16xi32>
    %and3A_284 = arith.constant 15 : i32
    %and3A_285 = vector.broadcast %and3A_284 : i32 to vector<16xi32>
    %and3A_286 = arith.andi %add3A_281, %and3A_285 : vector<16xi32>
    %mul3A_287 = arith.constant 4 : i32
    %mul3A_288 = arith.muli %select_n3A, %mul3A_287 : i32
    %sub3A_289 = arith.subi %add3A, %mul3A_288 : i32
    %mul3A_290 = arith.constant 4 : i32
    %mul3A_291 = arith.muli %sub3A_289, %mul3A_290 : i32
    %add3A_292 = arith.constant 0 : i32
    %add3A_293 = arith.addi %mul3A_291, %add3A_292 : i32
    %eq3A = vector.broadcast %add3A_293 : i32 to vector<16xi32>
    %eq3A_294 = arith.cmpi eq, %iota3A, %eq3A : vector<16xi32>
    %jit3A_295 = arith.constant 0 : i32
    %broadcast_in_dim3A = vector.broadcast %jit3A_295 : i32 to vector<16xi32>
    %select_n3A_296 = arith.select %eq3A_294, %and3A_286, %broadcast_in_dim3A : vector<16xi1>, vector<16xi32>
    %reduce_sum3A = arith.constant true
    %reduce_sum3A_297 = vector.broadcast %reduce_sum3A : i1 to vector<16xi1>
    %reduce_sum3A_298 = tpu.scan <sum>, %select_n3A_296 masked %reduce_sum3A_297 : vector<16xi32>, vector<16xi1> -> vector<16xi32>
    %reduce_sum3A_299 = vector.extract %reduce_sum3A_298[15] : i32 from vector<16xi32>
    %jit3A_300 = arith.constant 0 : i32
    %broadcast_in_dim3A_301 = vector.broadcast %jit3A_300 : i32 to vector<16xi32>
    %select_n3A_302 = arith.select %eq3A_294, %shift_right_logical3A_283, %broadcast_in_dim3A_301 : vector<16xi1>, vector<16xi32>
    %reduce_sum3A_303 = arith.constant true
    %reduce_sum3A_304 = vector.broadcast %reduce_sum3A_303 : i1 to vector<16xi1>
    %reduce_sum3A_305 = tpu.scan <sum>, %select_n3A_302 masked %reduce_sum3A_304 : vector<16xi32>, vector<16xi1> -> vector<16xi32>
    %reduce_sum3A_306 = vector.extract %reduce_sum3A_305[15] : i32 from vector<16xi32>
    %eq3A_307 = vector.broadcast %reduce_sum3A_299 : i32 to vector<16xi32>
    %eq3A_308 = arith.cmpi eq, %iota3A, %eq3A_307 : vector<16xi32>
    %convert_element_type3A = arith.extui %eq3A_308 : vector<16xi1> to vector<16xi32>
    %convert_element_type3A_309 = arith.sitofp %convert_element_type3A : vector<16xi32> to vector<16xf32>
    %swap3A = arith.constant 0 : i32
    %swap3A_310 = arith.index_cast %swap3A : i32 to index
    %swap3A_311 = arith.constant 0 : index
    %swap3A_312 = tpu.vector_load %arg5[%swap3A_310, %swap3A_311] {strides = array<i32>} : memref<1x16xf32, #tpu.memory_space<vmem>>, vector<16xf32>,
    tpu.vector_store %arg5[%swap3A_310, %swap3A_311], %convert_element_type3A_309 {strides = array<i32>} : memref<1x16xf32, #tpu.memory_space<vmem>>, vector<16xf32>,
    "tpu.region"() ({
      %run_scoped3A = tpu.sem_alloc : memref<!tpu.dma_semaphore, #tpu.memory_space<semaphore_mem>>
      %dma_start3A_397 = arith.constant 0 : i32
      %dma_start3A_398 = tpu.memref_slice %arg3[%reduce_sum3A_306, %dma_start3A_397] : memref<800000x16xf32, #tpu.memory_space<hbm>> -> memref<1x16xf32, #tpu.memory_space<hbm>>
      %dma_start3A_399 = arith.constant 0 : i32
      %dma_start3A_400 = tpu.memref_slice %arg3[%reduce_sum3A_306, %dma_start3A_399] : memref<800000x16xf32, #tpu.memory_space<hbm>> -> memref<1x16xf32, #tpu.memory_space<hbm>>
      tpu.enqueue_dma source(%arg5 : memref<1x16xf32, #tpu.memory_space<vmem>>) target(%dma_start3A_400 : memref<1x16xf32, #tpu.memory_space<hbm>>) target_semaphore(%run_scoped3A : memref<!tpu.dma_semaphore, #tpu.memory_space<semaphore_mem>>)
      %dma_wait3A_401 = arith.constant 0 : i32
      %dma_wait3A_402 = tpu.memref_slice %arg3[%reduce_sum3A_306, %dma_wait3A_401] : memref<800000x16xf32, #tpu.memory_space<hbm>> -> memref<1x16xf32, #tpu.memory_space<hbm>>
      %dma_wait3A_403 = arith.constant 0 : i32
      %dma_wait3A_404 = tpu.memref_slice %arg3[%reduce_sum3A_306, %dma_wait3A_403] : memref<800000x16xf32, #tpu.memory_space<hbm>> -> memref<1x16xf32, #tpu.memory_space<hbm>>
      tpu.wait_dma2 semaphore(%run_scoped3A : memref<!tpu.dma_semaphore, #tpu.memory_space<semaphore_mem>>) src(%arg5 : memref<1x16xf32, #tpu.memory_space<vmem>>) dst(%dma_wait3A_404 : memref<1x16xf32, #tpu.memory_space<hbm>>)
      tpu.yield
    }) : () -> ()
    %mul3A_313 = arith.constant 4 : i32
    %mul3A_314 = arith.muli %sub3A_289, %mul3A_313 : i32
    %add3A_315 = arith.constant 1 : i32
    %add3A_316 = arith.addi %mul3A_314, %add3A_315 : i32
    %eq3A_317 = vector.broadcast %add3A_316 : i32 to vector<16xi32>
    %eq3A_318 = arith.cmpi eq, %iota3A, %eq3A_317 : vector<16xi32>
    %jit3A_319 = arith.constant 0 : i32
    %broadcast_in_dim3A_320 = vector.broadcast %jit3A_319 : i32 to vector<16xi32>
    %select_n3A_321 = arith.select %eq3A_318, %and3A_286, %broadcast_in_dim3A_320 : vector<16xi1>, vector<16xi32>
    %reduce_sum3A_322 = arith.constant true
    %reduce_sum3A_323 = vector.broadcast %reduce_sum3A_322 : i1 to vector<16xi1>
    %reduce_sum3A_324 = tpu.scan <sum>, %select_n3A_321 masked %reduce_sum3A_323 : vector<16xi32>, vector<16xi1> -> vector<16xi32>
    %reduce_sum3A_325 = vector.extract %reduce_sum3A_324[15] : i32 from vector<16xi32>
    %jit3A_326 = arith.constant 0 : i32
    %broadcast_in_dim3A_327 = vector.broadcast %jit3A_326 : i32 to vector<16xi32>
    %select_n3A_328 = arith.select %eq3A_318, %shift_right_logical3A_283, %broadcast_in_dim3A_327 : vector<16xi1>, vector<16xi32>
    %reduce_sum3A_329 = arith.constant true
    %reduce_sum3A_330 = vector.broadcast %reduce_sum3A_329 : i1 to vector<16xi1>
    %reduce_sum3A_331 = tpu.scan <sum>, %select_n3A_328 masked %reduce_sum3A_330 : vector<16xi32>, vector<16xi1> -> vector<16xi32>
    %reduce_sum3A_332 = vector.extract %reduce_sum3A_331[15] : i32 from vector<16xi32>
    %eq3A_333 = vector.broadcast %reduce_sum3A_325 : i32 to vector<16xi32>
    %eq3A_334 = arith.cmpi eq, %iota3A, %eq3A_333 : vector<16xi32>
    %convert_element_type3A_335 = arith.extui %eq3A_334 : vector<16xi1> to vector<16xi32>
    %convert_element_type3A_336 = arith.sitofp %convert_element_type3A_335 : vector<16xi32> to vector<16xf32>
    %swap3A_337 = arith.constant 0 : i32
    %swap3A_338 = arith.index_cast %swap3A_337 : i32 to index
    %swap3A_339 = arith.constant 0 : index
    %swap3A_340 = tpu.vector_load %arg5[%swap3A_338, %swap3A_339] {strides = array<i32>} : memref<1x16xf32, #tpu.memory_space<vmem>>, vector<16xf32>,
    tpu.vector_store %arg5[%swap3A_338, %swap3A_339], %convert_element_type3A_336 {strides = array<i32>} : memref<1x16xf32, #tpu.memory_space<vmem>>, vector<16xf32>,
    "tpu.region"() ({
      %run_scoped3A = tpu.sem_alloc : memref<!tpu.dma_semaphore, #tpu.memory_space<semaphore_mem>>
      %dma_start3A_397 = arith.constant 0 : i32
      %dma_start3A_398 = tpu.memref_slice %arg3[%reduce_sum3A_332, %dma_start3A_397] : memref<800000x16xf32, #tpu.memory_space<hbm>> -> memref<1x16xf32, #tpu.memory_space<hbm>>
      %dma_start3A_399 = arith.constant 0 : i32
      %dma_start3A_400 = tpu.memref_slice %arg3[%reduce_sum3A_332, %dma_start3A_399] : memref<800000x16xf32, #tpu.memory_space<hbm>> -> memref<1x16xf32, #tpu.memory_space<hbm>>
      tpu.enqueue_dma source(%arg5 : memref<1x16xf32, #tpu.memory_space<vmem>>) target(%dma_start3A_400 : memref<1x16xf32, #tpu.memory_space<hbm>>) target_semaphore(%run_scoped3A : memref<!tpu.dma_semaphore, #tpu.memory_space<semaphore_mem>>)
      %dma_wait3A_401 = arith.constant 0 : i32
      %dma_wait3A_402 = tpu.memref_slice %arg3[%reduce_sum3A_332, %dma_wait3A_401] : memref<800000x16xf32, #tpu.memory_space<hbm>> -> memref<1x16xf32, #tpu.memory_space<hbm>>
      %dma_wait3A_403 = arith.constant 0 : i32
      %dma_wait3A_404 = tpu.memref_slice %arg3[%reduce_sum3A_332, %dma_wait3A_403] : memref<800000x16xf32, #tpu.memory_space<hbm>> -> memref<1x16xf32, #tpu.memory_space<hbm>>
      tpu.wait_dma2 semaphore(%run_scoped3A : memref<!tpu.dma_semaphore, #tpu.memory_space<semaphore_mem>>) src(%arg5 : memref<1x16xf32, #tpu.memory_space<vmem>>) dst(%dma_wait3A_404 : memref<1x16xf32, #tpu.memory_space<hbm>>)
      tpu.yield
    }) : () -> ()
    %mul3A_341 = arith.constant 4 : i32
    %mul3A_342 = arith.muli %sub3A_289, %mul3A_341 : i32
    %add3A_343 = arith.constant 2 : i32
    %add3A_344 = arith.addi %mul3A_342, %add3A_343 : i32
    %eq3A_345 = vector.broadcast %add3A_344 : i32 to vector<16xi32>
    %eq3A_346 = arith.cmpi eq, %iota3A, %eq3A_345 : vector<16xi32>
    %jit3A_347 = arith.constant 0 : i32
    %broadcast_in_dim3A_348 = vector.broadcast %jit3A_347 : i32 to vector<16xi32>
    %select_n3A_349 = arith.select %eq3A_346, %and3A_286, %broadcast_in_dim3A_348 : vector<16xi1>, vector<16xi32>
    %reduce_sum3A_350 = arith.constant true
    %reduce_sum3A_351 = vector.broadcast %reduce_sum3A_350 : i1 to vector<16xi1>
    %reduce_sum3A_352 = tpu.scan <sum>, %select_n3A_349 masked %reduce_sum3A_351 : vector<16xi32>, vector<16xi1> -> vector<16xi32>
    %reduce_sum3A_353 = vector.extract %reduce_sum3A_352[15] : i32 from vector<16xi32>
    %jit3A_354 = arith.constant 0 : i32
    %broadcast_in_dim3A_355 = vector.broadcast %jit3A_354 : i32 to vector<16xi32>
    %select_n3A_356 = arith.select %eq3A_346, %shift_right_logical3A_283, %broadcast_in_dim3A_355 : vector<16xi1>, vector<16xi32>
    %reduce_sum3A_357 = arith.constant true
    %reduce_sum3A_358 = vector.broadcast %reduce_sum3A_357 : i1 to vector<16xi1>
    %reduce_sum3A_359 = tpu.scan <sum>, %select_n3A_356 masked %reduce_sum3A_358 : vector<16xi32>, vector<16xi1> -> vector<16xi32>
    %reduce_sum3A_360 = vector.extract %reduce_sum3A_359[15] : i32 from vector<16xi32>
    %eq3A_361 = vector.broadcast %reduce_sum3A_353 : i32 to vector<16xi32>
    %eq3A_362 = arith.cmpi eq, %iota3A, %eq3A_361 : vector<16xi32>
    %convert_element_type3A_363 = arith.extui %eq3A_362 : vector<16xi1> to vector<16xi32>
    %convert_element_type3A_364 = arith.sitofp %convert_element_type3A_363 : vector<16xi32> to vector<16xf32>
    %swap3A_365 = arith.constant 0 : i32
    %swap3A_366 = arith.index_cast %swap3A_365 : i32 to index
    %swap3A_367 = arith.constant 0 : index
    %swap3A_368 = tpu.vector_load %arg5[%swap3A_366, %swap3A_367] {strides = array<i32>} : memref<1x16xf32, #tpu.memory_space<vmem>>, vector<16xf32>,
    tpu.vector_store %arg5[%swap3A_366, %swap3A_367], %convert_element_type3A_364 {strides = array<i32>} : memref<1x16xf32, #tpu.memory_space<vmem>>, vector<16xf32>,
    "tpu.region"() ({
      %run_scoped3A = tpu.sem_alloc : memref<!tpu.dma_semaphore, #tpu.memory_space<semaphore_mem>>
      %dma_start3A_397 = arith.constant 0 : i32
      %dma_start3A_398 = tpu.memref_slice %arg3[%reduce_sum3A_360, %dma_start3A_397] : memref<800000x16xf32, #tpu.memory_space<hbm>> -> memref<1x16xf32, #tpu.memory_space<hbm>>
      %dma_start3A_399 = arith.constant 0 : i32
      %dma_start3A_400 = tpu.memref_slice %arg3[%reduce_sum3A_360, %dma_start3A_399] : memref<800000x16xf32, #tpu.memory_space<hbm>> -> memref<1x16xf32, #tpu.memory_space<hbm>>
      tpu.enqueue_dma source(%arg5 : memref<1x16xf32, #tpu.memory_space<vmem>>) target(%dma_start3A_400 : memref<1x16xf32, #tpu.memory_space<hbm>>) target_semaphore(%run_scoped3A : memref<!tpu.dma_semaphore, #tpu.memory_space<semaphore_mem>>)
      %dma_wait3A_401 = arith.constant 0 : i32
      %dma_wait3A_402 = tpu.memref_slice %arg3[%reduce_sum3A_360, %dma_wait3A_401] : memref<800000x16xf32, #tpu.memory_space<hbm>> -> memref<1x16xf32, #tpu.memory_space<hbm>>
      %dma_wait3A_403 = arith.constant 0 : i32
      %dma_wait3A_404 = tpu.memref_slice %arg3[%reduce_sum3A_360, %dma_wait3A_403] : memref<800000x16xf32, #tpu.memory_space<hbm>> -> memref<1x16xf32, #tpu.memory_space<hbm>>
      tpu.wait_dma2 semaphore(%run_scoped3A : memref<!tpu.dma_semaphore, #tpu.memory_space<semaphore_mem>>) src(%arg5 : memref<1x16xf32, #tpu.memory_space<vmem>>) dst(%dma_wait3A_404 : memref<1x16xf32, #tpu.memory_space<hbm>>)
      tpu.yield
    }) : () -> ()
    %mul3A_369 = arith.constant 4 : i32
    %mul3A_370 = arith.muli %sub3A_289, %mul3A_369 : i32
    %add3A_371 = arith.constant 3 : i32
    %add3A_372 = arith.addi %mul3A_370, %add3A_371 : i32
    %eq3A_373 = vector.broadcast %add3A_372 : i32 to vector<16xi32>
    %eq3A_374 = arith.cmpi eq, %iota3A, %eq3A_373 : vector<16xi32>
    %jit3A_375 = arith.constant 0 : i32
    %broadcast_in_dim3A_376 = vector.broadcast %jit3A_375 : i32 to vector<16xi32>
    %select_n3A_377 = arith.select %eq3A_374, %and3A_286, %broadcast_in_dim3A_376 : vector<16xi1>, vector<16xi32>
    %reduce_sum3A_378 = arith.constant true
    %reduce_sum3A_379 = vector.broadcast %reduce_sum3A_378 : i1 to vector<16xi1>
    %reduce_sum3A_380 = tpu.scan <sum>, %select_n3A_377 masked %reduce_sum3A_379 : vector<16xi32>, vector<16xi1> -> vector<16xi32>
    %reduce_sum3A_381 = vector.extract %reduce_sum3A_380[15] : i32 from vector<16xi32>
    %jit3A_382 = arith.constant 0 : i32
    %broadcast_in_dim3A_383 = vector.broadcast %jit3A_382 : i32 to vector<16xi32>
    %select_n3A_384 = arith.select %eq3A_374, %shift_right_logical3A_283, %broadcast_in_dim3A_383 : vector<16xi1>, vector<16xi32>
    %reduce_sum3A_385 = arith.constant true
    %reduce_sum3A_386 = vector.broadcast %reduce_sum3A_385 : i1 to vector<16xi1>
    %reduce_sum3A_387 = tpu.scan <sum>, %select_n3A_384 masked %reduce_sum3A_386 : vector<16xi32>, vector<16xi1> -> vector<16xi32>
    %reduce_sum3A_388 = vector.extract %reduce_sum3A_387[15] : i32 from vector<16xi32>
    %eq3A_389 = vector.broadcast %reduce_sum3A_381 : i32 to vector<16xi32>
    %eq3A_390 = arith.cmpi eq, %iota3A, %eq3A_389 : vector<16xi32>
    %convert_element_type3A_391 = arith.extui %eq3A_390 : vector<16xi1> to vector<16xi32>
    %convert_element_type3A_392 = arith.sitofp %convert_element_type3A_391 : vector<16xi32> to vector<16xf32>
    %swap3A_393 = arith.constant 0 : i32
    %swap3A_394 = arith.index_cast %swap3A_393 : i32 to index
    %swap3A_395 = arith.constant 0 : index
    %swap3A_396 = tpu.vector_load %arg5[%swap3A_394, %swap3A_395] {strides = array<i32>} : memref<1x16xf32, #tpu.memory_space<vmem>>, vector<16xf32>,
    tpu.vector_store %arg5[%swap3A_394, %swap3A_395], %convert_element_type3A_392 {strides = array<i32>} : memref<1x16xf32, #tpu.memory_space<vmem>>, vector<16xf32>,
    "tpu.region"() ({
      %run_scoped3A = tpu.sem_alloc : memref<!tpu.dma_semaphore, #tpu.memory_space<semaphore_mem>>
      %dma_start3A_397 = arith.constant 0 : i32
      %dma_start3A_398 = tpu.memref_slice %arg3[%reduce_sum3A_388, %dma_start3A_397] : memref<800000x16xf32, #tpu.memory_space<hbm>> -> memref<1x16xf32, #tpu.memory_space<hbm>>
      %dma_start3A_399 = arith.constant 0 : i32
      %dma_start3A_400 = tpu.memref_slice %arg3[%reduce_sum3A_388, %dma_start3A_399] : memref<800000x16xf32, #tpu.memory_space<hbm>> -> memref<1x16xf32, #tpu.memory_space<hbm>>
      tpu.enqueue_dma source(%arg5 : memref<1x16xf32, #tpu.memory_space<vmem>>) target(%dma_start3A_400 : memref<1x16xf32, #tpu.memory_space<hbm>>) target_semaphore(%run_scoped3A : memref<!tpu.dma_semaphore, #tpu.memory_space<semaphore_mem>>)
      %dma_wait3A_401 = arith.constant 0 : i32
      %dma_wait3A_402 = tpu.memref_slice %arg3[%reduce_sum3A_388, %dma_wait3A_401] : memref<800000x16xf32, #tpu.memory_space<hbm>> -> memref<1x16xf32, #tpu.memory_space<hbm>>
      %dma_wait3A_403 = arith.constant 0 : i32
      %dma_wait3A_404 = tpu.memref_slice %arg3[%reduce_sum3A_388, %dma_wait3A_403] : memref<800000x16xf32, #tpu.memory_space<hbm>> -> memref<1x16xf32, #tpu.memory_space<hbm>>
      tpu.wait_dma2 semaphore(%run_scoped3A : memref<!tpu.dma_semaphore, #tpu.memory_space<semaphore_mem>>) src(%arg5 : memref<1x16xf32, #tpu.memory_space<vmem>>) dst(%dma_wait3A_404 : memref<1x16xf32, #tpu.memory_space<hbm>>)
      tpu.yield
    }) : () -> ()
    return
  }
}

module attributes {stable_mosaic.version = 14 : i64} {
  func.func @_argmax_kernel(%arg0: i32, %arg1: memref<128x100000xf32, #tpu.memory_space<any>>, %arg2: memref<128x2048xf32, #tpu.memory_space<vmem>>, %arg3: memref<128x1xi32, #tpu.memory_space<vmem>>, %arg4: memref<128x4096xf32, #tpu.memory_space<vmem>>, %arg5: memref<128x4096xf32, #tpu.memory_space<vmem>>, %arg6: memref<128x4096xf32, #tpu.memory_space<vmem>>, %arg7: memref<128x4096xf32, #tpu.memory_space<vmem>>, %arg8: memref<128x4096xf32, #tpu.memory_space<vmem>>, %arg9: memref<128x4096xi32, #tpu.memory_space<vmem>>, %arg10: memref<4x!tpu.dma_semaphore, #tpu.memory_space<semaphore_mem>>) attributes {dimension_semantics = [#tpu.dimension_semantics<arbitrary>], iteration_bounds = array<i64: 1>, scalar_prefetch = 0 : i64, scratch_operands = 7 : i64, tpu.core_type = #tpu.core_type<tc>, window_params = [{}, {transform_indices = @transform_1, window_bounds = array<i64: 128, 2048>}, {pipeline_mode = #tpu.pipeline_mode<synchronous>, transform_indices = @transform_2, window_bounds = array<i64: 128, 1>}]} {
    %broadcast_in_dim3A = arith.constant 0xFF800000 : f32
    %broadcast_in_dim3A_0 = vector.broadcast %broadcast_in_dim3A : f32 to vector<128x4096xf32>
    %swap3A = arith.constant 0 : index
    %swap3A_1 = arith.constant 0 : index
    %swap3A_2 = vector.load %arg8[%swap3A, %swap3A_1] : memref<128x4096xf32, #tpu.memory_space<vmem>>, vector<128x4096xf32>
    tpu.vector_store %arg8[%swap3A, %swap3A_1], %broadcast_in_dim3A_0 {strides = array<i32>} : memref<128x4096xf32, #tpu.memory_space<vmem>>, vector<128x4096xf32>,
    %broadcast_in_dim3A_3 = arith.constant 0 : i32
    %broadcast_in_dim3A_4 = vector.broadcast %broadcast_in_dim3A_3 : i32 to vector<128x4096xi32>
    %swap3A_5 = arith.constant 0 : index
    %swap3A_6 = arith.constant 0 : index
    %swap3A_7 = vector.load %arg9[%swap3A_5, %swap3A_6] : memref<128x4096xi32, #tpu.memory_space<vmem>>, vector<128x4096xi32>
    tpu.vector_store %arg9[%swap3A_5, %swap3A_6], %broadcast_in_dim3A_4 {strides = array<i32>} : memref<128x4096xi32, #tpu.memory_space<vmem>>, vector<128x4096xi32>,
    %dma_start3A = arith.constant 0 : i32
    %dma_start3A_8 = tpu.memref_slice %arg10[%dma_start3A] : memref<4x!tpu.dma_semaphore, #tpu.memory_space<semaphore_mem>> -> memref<1x!tpu.dma_semaphore, #tpu.memory_space<semaphore_mem>>
    %dma_start3A_9 = tpu.memref_squeeze %dma_start3A_8 : memref<1x!tpu.dma_semaphore, #tpu.memory_space<semaphore_mem>> -> memref<!tpu.dma_semaphore, #tpu.memory_space<semaphore_mem>>
    %dma_start3A_10 = arith.constant 0 : i32
    %dma_start3A_11 = arith.constant 0 : i32
    %dma_start3A_12 = tpu.memref_slice %arg1[%dma_start3A_10, %dma_start3A_11] : memref<128x100000xf32, #tpu.memory_space<any>> -> memref<128x4096xf32, #tpu.memory_space<any>>
    tpu.enqueue_dma source(%dma_start3A_12 : memref<128x4096xf32, #tpu.memory_space<any>>) target(%arg4 : memref<128x4096xf32, #tpu.memory_space<vmem>>) target_semaphore(%dma_start3A_9 : memref<!tpu.dma_semaphore, #tpu.memory_space<semaphore_mem>>)
    %dma_start3A_13 = arith.constant 1 : i32
    %dma_start3A_14 = tpu.memref_slice %arg10[%dma_start3A_13] : memref<4x!tpu.dma_semaphore, #tpu.memory_space<semaphore_mem>> -> memref<1x!tpu.dma_semaphore, #tpu.memory_space<semaphore_mem>>
    %dma_start3A_15 = tpu.memref_squeeze %dma_start3A_14 : memref<1x!tpu.dma_semaphore, #tpu.memory_space<semaphore_mem>> -> memref<!tpu.dma_semaphore, #tpu.memory_space<semaphore_mem>>
    %dma_start3A_16 = arith.constant 0 : i32
    %dma_start3A_17 = arith.constant 4096 : i32
    %dma_start3A_18 = tpu.memref_slice %arg1[%dma_start3A_16, %dma_start3A_17] : memref<128x100000xf32, #tpu.memory_space<any>> -> memref<128x4096xf32, #tpu.memory_space<any>>
    tpu.enqueue_dma source(%dma_start3A_18 : memref<128x4096xf32, #tpu.memory_space<any>>) target(%arg5 : memref<128x4096xf32, #tpu.memory_space<vmem>>) target_semaphore(%dma_start3A_15 : memref<!tpu.dma_semaphore, #tpu.memory_space<semaphore_mem>>)
    %dma_start3A_19 = arith.constant 2 : i32
    %dma_start3A_20 = tpu.memref_slice %arg10[%dma_start3A_19] : memref<4x!tpu.dma_semaphore, #tpu.memory_space<semaphore_mem>> -> memref<1x!tpu.dma_semaphore, #tpu.memory_space<semaphore_mem>>
    %dma_start3A_21 = tpu.memref_squeeze %dma_start3A_20 : memref<1x!tpu.dma_semaphore, #tpu.memory_space<semaphore_mem>> -> memref<!tpu.dma_semaphore, #tpu.memory_space<semaphore_mem>>
    %dma_start3A_22 = arith.constant 0 : i32
    %dma_start3A_23 = arith.constant 8192 : i32
    %dma_start3A_24 = tpu.memref_slice %arg1[%dma_start3A_22, %dma_start3A_23] : memref<128x100000xf32, #tpu.memory_space<any>> -> memref<128x4096xf32, #tpu.memory_space<any>>
    tpu.enqueue_dma source(%dma_start3A_24 : memref<128x4096xf32, #tpu.memory_space<any>>) target(%arg6 : memref<128x4096xf32, #tpu.memory_space<vmem>>) target_semaphore(%dma_start3A_21 : memref<!tpu.dma_semaphore, #tpu.memory_space<semaphore_mem>>)
    %dma_start3A_25 = arith.constant 3 : i32
    %dma_start3A_26 = tpu.memref_slice %arg10[%dma_start3A_25] : memref<4x!tpu.dma_semaphore, #tpu.memory_space<semaphore_mem>> -> memref<1x!tpu.dma_semaphore, #tpu.memory_space<semaphore_mem>>
    %dma_start3A_27 = tpu.memref_squeeze %dma_start3A_26 : memref<1x!tpu.dma_semaphore, #tpu.memory_space<semaphore_mem>> -> memref<!tpu.dma_semaphore, #tpu.memory_space<semaphore_mem>>
    %dma_start3A_28 = arith.constant 0 : i32
    %dma_start3A_29 = arith.constant 12288 : i32
    %dma_start3A_30 = tpu.memref_slice %arg1[%dma_start3A_28, %dma_start3A_29] : memref<128x100000xf32, #tpu.memory_space<any>> -> memref<128x4096xf32, #tpu.memory_space<any>>
    tpu.enqueue_dma source(%dma_start3A_30 : memref<128x4096xf32, #tpu.memory_space<any>>) target(%arg7 : memref<128x4096xf32, #tpu.memory_space<vmem>>) target_semaphore(%dma_start3A_27 : memref<!tpu.dma_semaphore, #tpu.memory_space<semaphore_mem>>)
    %dma_wait3A = arith.constant 0 : i32
    %dma_wait3A_31 = tpu.memref_slice %arg10[%dma_wait3A] : memref<4x!tpu.dma_semaphore, #tpu.memory_space<semaphore_mem>> -> memref<1x!tpu.dma_semaphore, #tpu.memory_space<semaphore_mem>>
    %dma_wait3A_32 = tpu.memref_squeeze %dma_wait3A_31 : memref<1x!tpu.dma_semaphore, #tpu.memory_space<semaphore_mem>> -> memref<!tpu.dma_semaphore, #tpu.memory_space<semaphore_mem>>
    %dma_wait3A_33 = arith.constant 0 : i32
    %dma_wait3A_34 = arith.constant 0 : i32
    %dma_wait3A_35 = tpu.memref_slice %arg1[%dma_wait3A_33, %dma_wait3A_34] : memref<128x100000xf32, #tpu.memory_space<any>> -> memref<128x4096xf32, #tpu.memory_space<any>>
    tpu.wait_dma2 semaphore(%dma_wait3A_32 : memref<!tpu.dma_semaphore, #tpu.memory_space<semaphore_mem>>) src(%dma_wait3A_35 : memref<128x4096xf32, #tpu.memory_space<any>>) dst(%arg4 : memref<128x4096xf32, #tpu.memory_space<vmem>>)
    %get3A = arith.constant 0 : index
    %get3A_36 = arith.constant 0 : index
    %get3A_37 = vector.load %arg4[%get3A, %get3A_36] : memref<128x4096xf32, #tpu.memory_space<vmem>>, vector<128x4096xf32>
    %get3A_38 = arith.constant 0 : index
    %get3A_39 = arith.constant 0 : index
    %get3A_40 = vector.load %arg8[%get3A_38, %get3A_39] : memref<128x4096xf32, #tpu.memory_space<vmem>>, vector<128x4096xf32>
    %gt3A = arith.cmpf ogt, %get3A_37, %get3A_40 : vector<128x4096xf32>
    %get3A_41 = arith.constant 0 : index
    %get3A_42 = arith.constant 0 : index
    %get3A_43 = vector.load %arg8[%get3A_41, %get3A_42] : memref<128x4096xf32, #tpu.memory_space<vmem>>, vector<128x4096xf32>
    %select_n3A = arith.select %gt3A, %get3A_37, %get3A_43 : vector<128x4096xi1>, vector<128x4096xf32>
    %swap3A_44 = arith.constant 0 : index
    %swap3A_45 = arith.constant 0 : index
    %swap3A_46 = vector.load %arg8[%swap3A_44, %swap3A_45] : memref<128x4096xf32, #tpu.memory_space<vmem>>, vector<128x4096xf32>
    tpu.vector_store %arg8[%swap3A_44, %swap3A_45], %select_n3A {strides = array<i32>} : memref<128x4096xf32, #tpu.memory_space<vmem>>, vector<128x4096xf32>,
    %get3A_47 = arith.constant 0 : index
    %get3A_48 = arith.constant 0 : index
    %get3A_49 = vector.load %arg9[%get3A_47, %get3A_48] : memref<128x4096xi32, #tpu.memory_space<vmem>>, vector<128x4096xi32>
    %jit3A = arith.constant 0 : i32
    %broadcast_in_dim3A_50 = vector.broadcast %jit3A : i32 to vector<128x4096xi32>
    %select_n3A_51 = arith.select %gt3A, %broadcast_in_dim3A_50, %get3A_49 : vector<128x4096xi1>, vector<128x4096xi32>
    %swap3A_52 = arith.constant 0 : index
    %swap3A_53 = arith.constant 0 : index
    %swap3A_54 = vector.load %arg9[%swap3A_52, %swap3A_53] : memref<128x4096xi32, #tpu.memory_space<vmem>>, vector<128x4096xi32>
    tpu.vector_store %arg9[%swap3A_52, %swap3A_53], %select_n3A_51 {strides = array<i32>} : memref<128x4096xi32, #tpu.memory_space<vmem>>, vector<128x4096xi32>,
    %dma_start3A_55 = arith.constant 0 : i32
    %dma_start3A_56 = tpu.memref_slice %arg10[%dma_start3A_55] : memref<4x!tpu.dma_semaphore, #tpu.memory_space<semaphore_mem>> -> memref<1x!tpu.dma_semaphore, #tpu.memory_space<semaphore_mem>>
    %dma_start3A_57 = tpu.memref_squeeze %dma_start3A_56 : memref<1x!tpu.dma_semaphore, #tpu.memory_space<semaphore_mem>> -> memref<!tpu.dma_semaphore, #tpu.memory_space<semaphore_mem>>
    %dma_start3A_58 = arith.constant 0 : i32
    %dma_start3A_59 = arith.constant 16384 : i32
    %dma_start3A_60 = tpu.memref_slice %arg1[%dma_start3A_58, %dma_start3A_59] : memref<128x100000xf32, #tpu.memory_space<any>> -> memref<128x4096xf32, #tpu.memory_space<any>>
    tpu.enqueue_dma source(%dma_start3A_60 : memref<128x4096xf32, #tpu.memory_space<any>>) target(%arg4 : memref<128x4096xf32, #tpu.memory_space<vmem>>) target_semaphore(%dma_start3A_57 : memref<!tpu.dma_semaphore, #tpu.memory_space<semaphore_mem>>)
    %dma_wait3A_61 = arith.constant 1 : i32
    %dma_wait3A_62 = tpu.memref_slice %arg10[%dma_wait3A_61] : memref<4x!tpu.dma_semaphore, #tpu.memory_space<semaphore_mem>> -> memref<1x!tpu.dma_semaphore, #tpu.memory_space<semaphore_mem>>
    %dma_wait3A_63 = tpu.memref_squeeze %dma_wait3A_62 : memref<1x!tpu.dma_semaphore, #tpu.memory_space<semaphore_mem>> -> memref<!tpu.dma_semaphore, #tpu.memory_space<semaphore_mem>>
    %dma_wait3A_64 = arith.constant 0 : i32
    %dma_wait3A_65 = arith.constant 4096 : i32
    %dma_wait3A_66 = tpu.memref_slice %arg1[%dma_wait3A_64, %dma_wait3A_65] : memref<128x100000xf32, #tpu.memory_space<any>> -> memref<128x4096xf32, #tpu.memory_space<any>>
    tpu.wait_dma2 semaphore(%dma_wait3A_63 : memref<!tpu.dma_semaphore, #tpu.memory_space<semaphore_mem>>) src(%dma_wait3A_66 : memref<128x4096xf32, #tpu.memory_space<any>>) dst(%arg5 : memref<128x4096xf32, #tpu.memory_space<vmem>>)
    %get3A_67 = arith.constant 0 : index
    %get3A_68 = arith.constant 0 : index
    %get3A_69 = vector.load %arg5[%get3A_67, %get3A_68] : memref<128x4096xf32, #tpu.memory_space<vmem>>, vector<128x4096xf32>
    %get3A_70 = arith.constant 0 : index
    %get3A_71 = arith.constant 0 : index
    %get3A_72 = vector.load %arg8[%get3A_70, %get3A_71] : memref<128x4096xf32, #tpu.memory_space<vmem>>, vector<128x4096xf32>
    %gt3A_73 = arith.cmpf ogt, %get3A_69, %get3A_72 : vector<128x4096xf32>
    %get3A_74 = arith.constant 0 : index
    %get3A_75 = arith.constant 0 : index
    %get3A_76 = vector.load %arg8[%get3A_74, %get3A_75] : memref<128x4096xf32, #tpu.memory_space<vmem>>, vector<128x4096xf32>
    %select_n3A_77 = arith.select %gt3A_73, %get3A_69, %get3A_76 : vector<128x4096xi1>, vector<128x4096xf32>
    %swap3A_78 = arith.constant 0 : index
    %swap3A_79 = arith.constant 0 : index
    %swap3A_80 = vector.load %arg8[%swap3A_78, %swap3A_79] : memref<128x4096xf32, #tpu.memory_space<vmem>>, vector<128x4096xf32>
    tpu.vector_store %arg8[%swap3A_78, %swap3A_79], %select_n3A_77 {strides = array<i32>} : memref<128x4096xf32, #tpu.memory_space<vmem>>, vector<128x4096xf32>,
    %get3A_81 = arith.constant 0 : index
    %get3A_82 = arith.constant 0 : index
    %get3A_83 = vector.load %arg9[%get3A_81, %get3A_82] : memref<128x4096xi32, #tpu.memory_space<vmem>>, vector<128x4096xi32>
    %jit3A_84 = arith.constant 1 : i32
    %broadcast_in_dim3A_85 = vector.broadcast %jit3A_84 : i32 to vector<128x4096xi32>
    %select_n3A_86 = arith.select %gt3A_73, %broadcast_in_dim3A_85, %get3A_83 : vector<128x4096xi1>, vector<128x4096xi32>
    %swap3A_87 = arith.constant 0 : index
    %swap3A_88 = arith.constant 0 : index
    %swap3A_89 = vector.load %arg9[%swap3A_87, %swap3A_88] : memref<128x4096xi32, #tpu.memory_space<vmem>>, vector<128x4096xi32>
    tpu.vector_store %arg9[%swap3A_87, %swap3A_88], %select_n3A_86 {strides = array<i32>} : memref<128x4096xi32, #tpu.memory_space<vmem>>, vector<128x4096xi32>,
    %dma_start3A_90 = arith.constant 1 : i32
    %dma_start3A_91 = tpu.memref_slice %arg10[%dma_start3A_90] : memref<4x!tpu.dma_semaphore, #tpu.memory_space<semaphore_mem>> -> memref<1x!tpu.dma_semaphore, #tpu.memory_space<semaphore_mem>>
    %dma_start3A_92 = tpu.memref_squeeze %dma_start3A_91 : memref<1x!tpu.dma_semaphore, #tpu.memory_space<semaphore_mem>> -> memref<!tpu.dma_semaphore, #tpu.memory_space<semaphore_mem>>
    %dma_start3A_93 = arith.constant 0 : i32
    %dma_start3A_94 = arith.constant 20480 : i32
    %dma_start3A_95 = tpu.memref_slice %arg1[%dma_start3A_93, %dma_start3A_94] : memref<128x100000xf32, #tpu.memory_space<any>> -> memref<128x4096xf32, #tpu.memory_space<any>>
    tpu.enqueue_dma source(%dma_start3A_95 : memref<128x4096xf32, #tpu.memory_space<any>>) target(%arg5 : memref<128x4096xf32, #tpu.memory_space<vmem>>) target_semaphore(%dma_start3A_92 : memref<!tpu.dma_semaphore, #tpu.memory_space<semaphore_mem>>)
    %dma_wait3A_96 = arith.constant 2 : i32
    %dma_wait3A_97 = tpu.memref_slice %arg10[%dma_wait3A_96] : memref<4x!tpu.dma_semaphore, #tpu.memory_space<semaphore_mem>> -> memref<1x!tpu.dma_semaphore, #tpu.memory_space<semaphore_mem>>
    %dma_wait3A_98 = tpu.memref_squeeze %dma_wait3A_97 : memref<1x!tpu.dma_semaphore, #tpu.memory_space<semaphore_mem>> -> memref<!tpu.dma_semaphore, #tpu.memory_space<semaphore_mem>>
    %dma_wait3A_99 = arith.constant 0 : i32
    %dma_wait3A_100 = arith.constant 8192 : i32
    %dma_wait3A_101 = tpu.memref_slice %arg1[%dma_wait3A_99, %dma_wait3A_100] : memref<128x100000xf32, #tpu.memory_space<any>> -> memref<128x4096xf32, #tpu.memory_space<any>>
    tpu.wait_dma2 semaphore(%dma_wait3A_98 : memref<!tpu.dma_semaphore, #tpu.memory_space<semaphore_mem>>) src(%dma_wait3A_101 : memref<128x4096xf32, #tpu.memory_space<any>>) dst(%arg6 : memref<128x4096xf32, #tpu.memory_space<vmem>>)
    %get3A_102 = arith.constant 0 : index
    %get3A_103 = arith.constant 0 : index
    %get3A_104 = vector.load %arg6[%get3A_102, %get3A_103] : memref<128x4096xf32, #tpu.memory_space<vmem>>, vector<128x4096xf32>
    %get3A_105 = arith.constant 0 : index
    %get3A_106 = arith.constant 0 : index
    %get3A_107 = vector.load %arg8[%get3A_105, %get3A_106] : memref<128x4096xf32, #tpu.memory_space<vmem>>, vector<128x4096xf32>
    %gt3A_108 = arith.cmpf ogt, %get3A_104, %get3A_107 : vector<128x4096xf32>
    %get3A_109 = arith.constant 0 : index
    %get3A_110 = arith.constant 0 : index
    %get3A_111 = vector.load %arg8[%get3A_109, %get3A_110] : memref<128x4096xf32, #tpu.memory_space<vmem>>, vector<128x4096xf32>
    %select_n3A_112 = arith.select %gt3A_108, %get3A_104, %get3A_111 : vector<128x4096xi1>, vector<128x4096xf32>
    %swap3A_113 = arith.constant 0 : index
    %swap3A_114 = arith.constant 0 : index
    %swap3A_115 = vector.load %arg8[%swap3A_113, %swap3A_114] : memref<128x4096xf32, #tpu.memory_space<vmem>>, vector<128x4096xf32>
    tpu.vector_store %arg8[%swap3A_113, %swap3A_114], %select_n3A_112 {strides = array<i32>} : memref<128x4096xf32, #tpu.memory_space<vmem>>, vector<128x4096xf32>,
    %get3A_116 = arith.constant 0 : index
    %get3A_117 = arith.constant 0 : index
    %get3A_118 = vector.load %arg9[%get3A_116, %get3A_117] : memref<128x4096xi32, #tpu.memory_space<vmem>>, vector<128x4096xi32>
    %jit3A_119 = arith.constant 2 : i32
    %broadcast_in_dim3A_120 = vector.broadcast %jit3A_119 : i32 to vector<128x4096xi32>
    %select_n3A_121 = arith.select %gt3A_108, %broadcast_in_dim3A_120, %get3A_118 : vector<128x4096xi1>, vector<128x4096xi32>
    %swap3A_122 = arith.constant 0 : index
    %swap3A_123 = arith.constant 0 : index
    %swap3A_124 = vector.load %arg9[%swap3A_122, %swap3A_123] : memref<128x4096xi32, #tpu.memory_space<vmem>>, vector<128x4096xi32>
    tpu.vector_store %arg9[%swap3A_122, %swap3A_123], %select_n3A_121 {strides = array<i32>} : memref<128x4096xi32, #tpu.memory_space<vmem>>, vector<128x4096xi32>,
    %dma_start3A_125 = arith.constant 2 : i32
    %dma_start3A_126 = tpu.memref_slice %arg10[%dma_start3A_125] : memref<4x!tpu.dma_semaphore, #tpu.memory_space<semaphore_mem>> -> memref<1x!tpu.dma_semaphore, #tpu.memory_space<semaphore_mem>>
    %dma_start3A_127 = tpu.memref_squeeze %dma_start3A_126 : memref<1x!tpu.dma_semaphore, #tpu.memory_space<semaphore_mem>> -> memref<!tpu.dma_semaphore, #tpu.memory_space<semaphore_mem>>
    %dma_start3A_128 = arith.constant 0 : i32
    %dma_start3A_129 = arith.constant 24576 : i32
    %dma_start3A_130 = tpu.memref_slice %arg1[%dma_start3A_128, %dma_start3A_129] : memref<128x100000xf32, #tpu.memory_space<any>> -> memref<128x4096xf32, #tpu.memory_space<any>>
    tpu.enqueue_dma source(%dma_start3A_130 : memref<128x4096xf32, #tpu.memory_space<any>>) target(%arg6 : memref<128x4096xf32, #tpu.memory_space<vmem>>) target_semaphore(%dma_start3A_127 : memref<!tpu.dma_semaphore, #tpu.memory_space<semaphore_mem>>)
    %dma_wait3A_131 = arith.constant 3 : i32
    %dma_wait3A_132 = tpu.memref_slice %arg10[%dma_wait3A_131] : memref<4x!tpu.dma_semaphore, #tpu.memory_space<semaphore_mem>> -> memref<1x!tpu.dma_semaphore, #tpu.memory_space<semaphore_mem>>
    %dma_wait3A_133 = tpu.memref_squeeze %dma_wait3A_132 : memref<1x!tpu.dma_semaphore, #tpu.memory_space<semaphore_mem>> -> memref<!tpu.dma_semaphore, #tpu.memory_space<semaphore_mem>>
    %dma_wait3A_134 = arith.constant 0 : i32
    %dma_wait3A_135 = arith.constant 12288 : i32
    %dma_wait3A_136 = tpu.memref_slice %arg1[%dma_wait3A_134, %dma_wait3A_135] : memref<128x100000xf32, #tpu.memory_space<any>> -> memref<128x4096xf32, #tpu.memory_space<any>>
    tpu.wait_dma2 semaphore(%dma_wait3A_133 : memref<!tpu.dma_semaphore, #tpu.memory_space<semaphore_mem>>) src(%dma_wait3A_136 : memref<128x4096xf32, #tpu.memory_space<any>>) dst(%arg7 : memref<128x4096xf32, #tpu.memory_space<vmem>>)
    %get3A_137 = arith.constant 0 : index
    %get3A_138 = arith.constant 0 : index
    %get3A_139 = vector.load %arg7[%get3A_137, %get3A_138] : memref<128x4096xf32, #tpu.memory_space<vmem>>, vector<128x4096xf32>
    %get3A_140 = arith.constant 0 : index
    %get3A_141 = arith.constant 0 : index
    %get3A_142 = vector.load %arg8[%get3A_140, %get3A_141] : memref<128x4096xf32, #tpu.memory_space<vmem>>, vector<128x4096xf32>
    %gt3A_143 = arith.cmpf ogt, %get3A_139, %get3A_142 : vector<128x4096xf32>
    %get3A_144 = arith.constant 0 : index
    %get3A_145 = arith.constant 0 : index
    %get3A_146 = vector.load %arg8[%get3A_144, %get3A_145] : memref<128x4096xf32, #tpu.memory_space<vmem>>, vector<128x4096xf32>
    %select_n3A_147 = arith.select %gt3A_143, %get3A_139, %get3A_146 : vector<128x4096xi1>, vector<128x4096xf32>
    %swap3A_148 = arith.constant 0 : index
    %swap3A_149 = arith.constant 0 : index
    %swap3A_150 = vector.load %arg8[%swap3A_148, %swap3A_149] : memref<128x4096xf32, #tpu.memory_space<vmem>>, vector<128x4096xf32>
    tpu.vector_store %arg8[%swap3A_148, %swap3A_149], %select_n3A_147 {strides = array<i32>} : memref<128x4096xf32, #tpu.memory_space<vmem>>, vector<128x4096xf32>,
    %get3A_151 = arith.constant 0 : index
    %get3A_152 = arith.constant 0 : index
    %get3A_153 = vector.load %arg9[%get3A_151, %get3A_152] : memref<128x4096xi32, #tpu.memory_space<vmem>>, vector<128x4096xi32>
    %jit3A_154 = arith.constant 3 : i32
    %broadcast_in_dim3A_155 = vector.broadcast %jit3A_154 : i32 to vector<128x4096xi32>
    %select_n3A_156 = arith.select %gt3A_143, %broadcast_in_dim3A_155, %get3A_153 : vector<128x4096xi1>, vector<128x4096xi32>
    %swap3A_157 = arith.constant 0 : index
    %swap3A_158 = arith.constant 0 : index
    %swap3A_159 = vector.load %arg9[%swap3A_157, %swap3A_158] : memref<128x4096xi32, #tpu.memory_space<vmem>>, vector<128x4096xi32>
    tpu.vector_store %arg9[%swap3A_157, %swap3A_158], %select_n3A_156 {strides = array<i32>} : memref<128x4096xi32, #tpu.memory_space<vmem>>, vector<128x4096xi32>,
    %dma_start3A_160 = arith.constant 3 : i32
    %dma_start3A_161 = tpu.memref_slice %arg10[%dma_start3A_160] : memref<4x!tpu.dma_semaphore, #tpu.memory_space<semaphore_mem>> -> memref<1x!tpu.dma_semaphore, #tpu.memory_space<semaphore_mem>>
    %dma_start3A_162 = tpu.memref_squeeze %dma_start3A_161 : memref<1x!tpu.dma_semaphore, #tpu.memory_space<semaphore_mem>> -> memref<!tpu.dma_semaphore, #tpu.memory_space<semaphore_mem>>
    %dma_start3A_163 = arith.constant 0 : i32
    %dma_start3A_164 = arith.constant 28672 : i32
    %dma_start3A_165 = tpu.memref_slice %arg1[%dma_start3A_163, %dma_start3A_164] : memref<128x100000xf32, #tpu.memory_space<any>> -> memref<128x4096xf32, #tpu.memory_space<any>>
    tpu.enqueue_dma source(%dma_start3A_165 : memref<128x4096xf32, #tpu.memory_space<any>>) target(%arg7 : memref<128x4096xf32, #tpu.memory_space<vmem>>) target_semaphore(%dma_start3A_162 : memref<!tpu.dma_semaphore, #tpu.memory_space<semaphore_mem>>)
    %dma_wait3A_166 = arith.constant 0 : i32
    %dma_wait3A_167 = tpu.memref_slice %arg10[%dma_wait3A_166] : memref<4x!tpu.dma_semaphore, #tpu.memory_space<semaphore_mem>> -> memref<1x!tpu.dma_semaphore, #tpu.memory_space<semaphore_mem>>
    %dma_wait3A_168 = tpu.memref_squeeze %dma_wait3A_167 : memref<1x!tpu.dma_semaphore, #tpu.memory_space<semaphore_mem>> -> memref<!tpu.dma_semaphore, #tpu.memory_space<semaphore_mem>>
    %dma_wait3A_169 = arith.constant 0 : i32
    %dma_wait3A_170 = arith.constant 16384 : i32
    %dma_wait3A_171 = tpu.memref_slice %arg1[%dma_wait3A_169, %dma_wait3A_170] : memref<128x100000xf32, #tpu.memory_space<any>> -> memref<128x4096xf32, #tpu.memory_space<any>>
    tpu.wait_dma2 semaphore(%dma_wait3A_168 : memref<!tpu.dma_semaphore, #tpu.memory_space<semaphore_mem>>) src(%dma_wait3A_171 : memref<128x4096xf32, #tpu.memory_space<any>>) dst(%arg4 : memref<128x4096xf32, #tpu.memory_space<vmem>>)
    %get3A_172 = arith.constant 0 : index
    %get3A_173 = arith.constant 0 : index
    %get3A_174 = vector.load %arg4[%get3A_172, %get3A_173] : memref<128x4096xf32, #tpu.memory_space<vmem>>, vector<128x4096xf32>
    %get3A_175 = arith.constant 0 : index
    %get3A_176 = arith.constant 0 : index
    %get3A_177 = vector.load %arg8[%get3A_175, %get3A_176] : memref<128x4096xf32, #tpu.memory_space<vmem>>, vector<128x4096xf32>
    %gt3A_178 = arith.cmpf ogt, %get3A_174, %get3A_177 : vector<128x4096xf32>
    %get3A_179 = arith.constant 0 : index
    %get3A_180 = arith.constant 0 : index
    %get3A_181 = vector.load %arg8[%get3A_179, %get3A_180] : memref<128x4096xf32, #tpu.memory_space<vmem>>, vector<128x4096xf32>
    %select_n3A_182 = arith.select %gt3A_178, %get3A_174, %get3A_181 : vector<128x4096xi1>, vector<128x4096xf32>
    %swap3A_183 = arith.constant 0 : index
    %swap3A_184 = arith.constant 0 : index
    %swap3A_185 = vector.load %arg8[%swap3A_183, %swap3A_184] : memref<128x4096xf32, #tpu.memory_space<vmem>>, vector<128x4096xf32>
    tpu.vector_store %arg8[%swap3A_183, %swap3A_184], %select_n3A_182 {strides = array<i32>} : memref<128x4096xf32, #tpu.memory_space<vmem>>, vector<128x4096xf32>,
    %get3A_186 = arith.constant 0 : index
    %get3A_187 = arith.constant 0 : index
    %get3A_188 = vector.load %arg9[%get3A_186, %get3A_187] : memref<128x4096xi32, #tpu.memory_space<vmem>>, vector<128x4096xi32>
    %jit3A_189 = arith.constant 4 : i32
    %broadcast_in_dim3A_190 = vector.broadcast %jit3A_189 : i32 to vector<128x4096xi32>
    %select_n3A_191 = arith.select %gt3A_178, %broadcast_in_dim3A_190, %get3A_188 : vector<128x4096xi1>, vector<128x4096xi32>
    %swap3A_192 = arith.constant 0 : index
    %swap3A_193 = arith.constant 0 : index
    %swap3A_194 = vector.load %arg9[%swap3A_192, %swap3A_193] : memref<128x4096xi32, #tpu.memory_space<vmem>>, vector<128x4096xi32>
    tpu.vector_store %arg9[%swap3A_192, %swap3A_193], %select_n3A_191 {strides = array<i32>} : memref<128x4096xi32, #tpu.memory_space<vmem>>, vector<128x4096xi32>,
    %dma_start3A_195 = arith.constant 0 : i32
    %dma_start3A_196 = tpu.memref_slice %arg10[%dma_start3A_195] : memref<4x!tpu.dma_semaphore, #tpu.memory_space<semaphore_mem>> -> memref<1x!tpu.dma_semaphore, #tpu.memory_space<semaphore_mem>>
    %dma_start3A_197 = tpu.memref_squeeze %dma_start3A_196 : memref<1x!tpu.dma_semaphore, #tpu.memory_space<semaphore_mem>> -> memref<!tpu.dma_semaphore, #tpu.memory_space<semaphore_mem>>
    %dma_start3A_198 = arith.constant 0 : i32
    %dma_start3A_199 = arith.constant 32768 : i32
    %dma_start3A_200 = tpu.memref_slice %arg1[%dma_start3A_198, %dma_start3A_199] : memref<128x100000xf32, #tpu.memory_space<any>> -> memref<128x4096xf32, #tpu.memory_space<any>>
    tpu.enqueue_dma source(%dma_start3A_200 : memref<128x4096xf32, #tpu.memory_space<any>>) target(%arg4 : memref<128x4096xf32, #tpu.memory_space<vmem>>) target_semaphore(%dma_start3A_197 : memref<!tpu.dma_semaphore, #tpu.memory_space<semaphore_mem>>)
    %dma_wait3A_201 = arith.constant 1 : i32
    %dma_wait3A_202 = tpu.memref_slice %arg10[%dma_wait3A_201] : memref<4x!tpu.dma_semaphore, #tpu.memory_space<semaphore_mem>> -> memref<1x!tpu.dma_semaphore, #tpu.memory_space<semaphore_mem>>
    %dma_wait3A_203 = tpu.memref_squeeze %dma_wait3A_202 : memref<1x!tpu.dma_semaphore, #tpu.memory_space<semaphore_mem>> -> memref<!tpu.dma_semaphore, #tpu.memory_space<semaphore_mem>>
    %dma_wait3A_204 = arith.constant 0 : i32
    %dma_wait3A_205 = arith.constant 20480 : i32
    %dma_wait3A_206 = tpu.memref_slice %arg1[%dma_wait3A_204, %dma_wait3A_205] : memref<128x100000xf32, #tpu.memory_space<any>> -> memref<128x4096xf32, #tpu.memory_space<any>>
    tpu.wait_dma2 semaphore(%dma_wait3A_203 : memref<!tpu.dma_semaphore, #tpu.memory_space<semaphore_mem>>) src(%dma_wait3A_206 : memref<128x4096xf32, #tpu.memory_space<any>>) dst(%arg5 : memref<128x4096xf32, #tpu.memory_space<vmem>>)
    %get3A_207 = arith.constant 0 : index
    %get3A_208 = arith.constant 0 : index
    %get3A_209 = vector.load %arg5[%get3A_207, %get3A_208] : memref<128x4096xf32, #tpu.memory_space<vmem>>, vector<128x4096xf32>
    %get3A_210 = arith.constant 0 : index
    %get3A_211 = arith.constant 0 : index
    %get3A_212 = vector.load %arg8[%get3A_210, %get3A_211] : memref<128x4096xf32, #tpu.memory_space<vmem>>, vector<128x4096xf32>
    %gt3A_213 = arith.cmpf ogt, %get3A_209, %get3A_212 : vector<128x4096xf32>
    %get3A_214 = arith.constant 0 : index
    %get3A_215 = arith.constant 0 : index
    %get3A_216 = vector.load %arg8[%get3A_214, %get3A_215] : memref<128x4096xf32, #tpu.memory_space<vmem>>, vector<128x4096xf32>
    %select_n3A_217 = arith.select %gt3A_213, %get3A_209, %get3A_216 : vector<128x4096xi1>, vector<128x4096xf32>
    %swap3A_218 = arith.constant 0 : index
    %swap3A_219 = arith.constant 0 : index
    %swap3A_220 = vector.load %arg8[%swap3A_218, %swap3A_219] : memref<128x4096xf32, #tpu.memory_space<vmem>>, vector<128x4096xf32>
    tpu.vector_store %arg8[%swap3A_218, %swap3A_219], %select_n3A_217 {strides = array<i32>} : memref<128x4096xf32, #tpu.memory_space<vmem>>, vector<128x4096xf32>,
    %get3A_221 = arith.constant 0 : index
    %get3A_222 = arith.constant 0 : index
    %get3A_223 = vector.load %arg9[%get3A_221, %get3A_222] : memref<128x4096xi32, #tpu.memory_space<vmem>>, vector<128x4096xi32>
    %jit3A_224 = arith.constant 5 : i32
    %broadcast_in_dim3A_225 = vector.broadcast %jit3A_224 : i32 to vector<128x4096xi32>
    %select_n3A_226 = arith.select %gt3A_213, %broadcast_in_dim3A_225, %get3A_223 : vector<128x4096xi1>, vector<128x4096xi32>
    %swap3A_227 = arith.constant 0 : index
    %swap3A_228 = arith.constant 0 : index
    %swap3A_229 = vector.load %arg9[%swap3A_227, %swap3A_228] : memref<128x4096xi32, #tpu.memory_space<vmem>>, vector<128x4096xi32>
    tpu.vector_store %arg9[%swap3A_227, %swap3A_228], %select_n3A_226 {strides = array<i32>} : memref<128x4096xi32, #tpu.memory_space<vmem>>, vector<128x4096xi32>,
    %dma_start3A_230 = arith.constant 1 : i32
    %dma_start3A_231 = tpu.memref_slice %arg10[%dma_start3A_230] : memref<4x!tpu.dma_semaphore, #tpu.memory_space<semaphore_mem>> -> memref<1x!tpu.dma_semaphore, #tpu.memory_space<semaphore_mem>>
    %dma_start3A_232 = tpu.memref_squeeze %dma_start3A_231 : memref<1x!tpu.dma_semaphore, #tpu.memory_space<semaphore_mem>> -> memref<!tpu.dma_semaphore, #tpu.memory_space<semaphore_mem>>
    %dma_start3A_233 = arith.constant 0 : i32
    %dma_start3A_234 = arith.constant 36864 : i32
    %dma_start3A_235 = tpu.memref_slice %arg1[%dma_start3A_233, %dma_start3A_234] : memref<128x100000xf32, #tpu.memory_space<any>> -> memref<128x4096xf32, #tpu.memory_space<any>>
    tpu.enqueue_dma source(%dma_start3A_235 : memref<128x4096xf32, #tpu.memory_space<any>>) target(%arg5 : memref<128x4096xf32, #tpu.memory_space<vmem>>) target_semaphore(%dma_start3A_232 : memref<!tpu.dma_semaphore, #tpu.memory_space<semaphore_mem>>)
    %dma_wait3A_236 = arith.constant 2 : i32
    %dma_wait3A_237 = tpu.memref_slice %arg10[%dma_wait3A_236] : memref<4x!tpu.dma_semaphore, #tpu.memory_space<semaphore_mem>> -> memref<1x!tpu.dma_semaphore, #tpu.memory_space<semaphore_mem>>
    %dma_wait3A_238 = tpu.memref_squeeze %dma_wait3A_237 : memref<1x!tpu.dma_semaphore, #tpu.memory_space<semaphore_mem>> -> memref<!tpu.dma_semaphore, #tpu.memory_space<semaphore_mem>>
    %dma_wait3A_239 = arith.constant 0 : i32
    %dma_wait3A_240 = arith.constant 24576 : i32
    %dma_wait3A_241 = tpu.memref_slice %arg1[%dma_wait3A_239, %dma_wait3A_240] : memref<128x100000xf32, #tpu.memory_space<any>> -> memref<128x4096xf32, #tpu.memory_space<any>>
    tpu.wait_dma2 semaphore(%dma_wait3A_238 : memref<!tpu.dma_semaphore, #tpu.memory_space<semaphore_mem>>) src(%dma_wait3A_241 : memref<128x4096xf32, #tpu.memory_space<any>>) dst(%arg6 : memref<128x4096xf32, #tpu.memory_space<vmem>>)
    %get3A_242 = arith.constant 0 : index
    %get3A_243 = arith.constant 0 : index
    %get3A_244 = vector.load %arg6[%get3A_242, %get3A_243] : memref<128x4096xf32, #tpu.memory_space<vmem>>, vector<128x4096xf32>
    %get3A_245 = arith.constant 0 : index
    %get3A_246 = arith.constant 0 : index
    %get3A_247 = vector.load %arg8[%get3A_245, %get3A_246] : memref<128x4096xf32, #tpu.memory_space<vmem>>, vector<128x4096xf32>
    %gt3A_248 = arith.cmpf ogt, %get3A_244, %get3A_247 : vector<128x4096xf32>
    %get3A_249 = arith.constant 0 : index
    %get3A_250 = arith.constant 0 : index
    %get3A_251 = vector.load %arg8[%get3A_249, %get3A_250] : memref<128x4096xf32, #tpu.memory_space<vmem>>, vector<128x4096xf32>
    %select_n3A_252 = arith.select %gt3A_248, %get3A_244, %get3A_251 : vector<128x4096xi1>, vector<128x4096xf32>
    %swap3A_253 = arith.constant 0 : index
    %swap3A_254 = arith.constant 0 : index
    %swap3A_255 = vector.load %arg8[%swap3A_253, %swap3A_254] : memref<128x4096xf32, #tpu.memory_space<vmem>>, vector<128x4096xf32>
    tpu.vector_store %arg8[%swap3A_253, %swap3A_254], %select_n3A_252 {strides = array<i32>} : memref<128x4096xf32, #tpu.memory_space<vmem>>, vector<128x4096xf32>,
    %get3A_256 = arith.constant 0 : index
    %get3A_257 = arith.constant 0 : index
    %get3A_258 = vector.load %arg9[%get3A_256, %get3A_257] : memref<128x4096xi32, #tpu.memory_space<vmem>>, vector<128x4096xi32>
    %jit3A_259 = arith.constant 6 : i32
    %broadcast_in_dim3A_260 = vector.broadcast %jit3A_259 : i32 to vector<128x4096xi32>
    %select_n3A_261 = arith.select %gt3A_248, %broadcast_in_dim3A_260, %get3A_258 : vector<128x4096xi1>, vector<128x4096xi32>
    %swap3A_262 = arith.constant 0 : index
    %swap3A_263 = arith.constant 0 : index
    %swap3A_264 = vector.load %arg9[%swap3A_262, %swap3A_263] : memref<128x4096xi32, #tpu.memory_space<vmem>>, vector<128x4096xi32>
    tpu.vector_store %arg9[%swap3A_262, %swap3A_263], %select_n3A_261 {strides = array<i32>} : memref<128x4096xi32, #tpu.memory_space<vmem>>, vector<128x4096xi32>,
    %dma_start3A_265 = arith.constant 2 : i32
    %dma_start3A_266 = tpu.memref_slice %arg10[%dma_start3A_265] : memref<4x!tpu.dma_semaphore, #tpu.memory_space<semaphore_mem>> -> memref<1x!tpu.dma_semaphore, #tpu.memory_space<semaphore_mem>>
    %dma_start3A_267 = tpu.memref_squeeze %dma_start3A_266 : memref<1x!tpu.dma_semaphore, #tpu.memory_space<semaphore_mem>> -> memref<!tpu.dma_semaphore, #tpu.memory_space<semaphore_mem>>
    %dma_start3A_268 = arith.constant 0 : i32
    %dma_start3A_269 = arith.constant 40960 : i32
    %dma_start3A_270 = tpu.memref_slice %arg1[%dma_start3A_268, %dma_start3A_269] : memref<128x100000xf32, #tpu.memory_space<any>> -> memref<128x4096xf32, #tpu.memory_space<any>>
    tpu.enqueue_dma source(%dma_start3A_270 : memref<128x4096xf32, #tpu.memory_space<any>>) target(%arg6 : memref<128x4096xf32, #tpu.memory_space<vmem>>) target_semaphore(%dma_start3A_267 : memref<!tpu.dma_semaphore, #tpu.memory_space<semaphore_mem>>)
    %dma_wait3A_271 = arith.constant 3 : i32
    %dma_wait3A_272 = tpu.memref_slice %arg10[%dma_wait3A_271] : memref<4x!tpu.dma_semaphore, #tpu.memory_space<semaphore_mem>> -> memref<1x!tpu.dma_semaphore, #tpu.memory_space<semaphore_mem>>
    %dma_wait3A_273 = tpu.memref_squeeze %dma_wait3A_272 : memref<1x!tpu.dma_semaphore, #tpu.memory_space<semaphore_mem>> -> memref<!tpu.dma_semaphore, #tpu.memory_space<semaphore_mem>>
    %dma_wait3A_274 = arith.constant 0 : i32
    %dma_wait3A_275 = arith.constant 28672 : i32
    %dma_wait3A_276 = tpu.memref_slice %arg1[%dma_wait3A_274, %dma_wait3A_275] : memref<128x100000xf32, #tpu.memory_space<any>> -> memref<128x4096xf32, #tpu.memory_space<any>>
    tpu.wait_dma2 semaphore(%dma_wait3A_273 : memref<!tpu.dma_semaphore, #tpu.memory_space<semaphore_mem>>) src(%dma_wait3A_276 : memref<128x4096xf32, #tpu.memory_space<any>>) dst(%arg7 : memref<128x4096xf32, #tpu.memory_space<vmem>>)
    %get3A_277 = arith.constant 0 : index
    %get3A_278 = arith.constant 0 : index
    %get3A_279 = vector.load %arg7[%get3A_277, %get3A_278] : memref<128x4096xf32, #tpu.memory_space<vmem>>, vector<128x4096xf32>
    %get3A_280 = arith.constant 0 : index
    %get3A_281 = arith.constant 0 : index
    %get3A_282 = vector.load %arg8[%get3A_280, %get3A_281] : memref<128x4096xf32, #tpu.memory_space<vmem>>, vector<128x4096xf32>
    %gt3A_283 = arith.cmpf ogt, %get3A_279, %get3A_282 : vector<128x4096xf32>
    %get3A_284 = arith.constant 0 : index
    %get3A_285 = arith.constant 0 : index
    %get3A_286 = vector.load %arg8[%get3A_284, %get3A_285] : memref<128x4096xf32, #tpu.memory_space<vmem>>, vector<128x4096xf32>
    %select_n3A_287 = arith.select %gt3A_283, %get3A_279, %get3A_286 : vector<128x4096xi1>, vector<128x4096xf32>
    %swap3A_288 = arith.constant 0 : index
    %swap3A_289 = arith.constant 0 : index
    %swap3A_290 = vector.load %arg8[%swap3A_288, %swap3A_289] : memref<128x4096xf32, #tpu.memory_space<vmem>>, vector<128x4096xf32>
    tpu.vector_store %arg8[%swap3A_288, %swap3A_289], %select_n3A_287 {strides = array<i32>} : memref<128x4096xf32, #tpu.memory_space<vmem>>, vector<128x4096xf32>,
    %get3A_291 = arith.constant 0 : index
    %get3A_292 = arith.constant 0 : index
    %get3A_293 = vector.load %arg9[%get3A_291, %get3A_292] : memref<128x4096xi32, #tpu.memory_space<vmem>>, vector<128x4096xi32>
    %jit3A_294 = arith.constant 7 : i32
    %broadcast_in_dim3A_295 = vector.broadcast %jit3A_294 : i32 to vector<128x4096xi32>
    %select_n3A_296 = arith.select %gt3A_283, %broadcast_in_dim3A_295, %get3A_293 : vector<128x4096xi1>, vector<128x4096xi32>
    %swap3A_297 = arith.constant 0 : index
    %swap3A_298 = arith.constant 0 : index
    %swap3A_299 = vector.load %arg9[%swap3A_297, %swap3A_298] : memref<128x4096xi32, #tpu.memory_space<vmem>>, vector<128x4096xi32>
    tpu.vector_store %arg9[%swap3A_297, %swap3A_298], %select_n3A_296 {strides = array<i32>} : memref<128x4096xi32, #tpu.memory_space<vmem>>, vector<128x4096xi32>,
    %dma_start3A_300 = arith.constant 3 : i32
    %dma_start3A_301 = tpu.memref_slice %arg10[%dma_start3A_300] : memref<4x!tpu.dma_semaphore, #tpu.memory_space<semaphore_mem>> -> memref<1x!tpu.dma_semaphore, #tpu.memory_space<semaphore_mem>>
    %dma_start3A_302 = tpu.memref_squeeze %dma_start3A_301 : memref<1x!tpu.dma_semaphore, #tpu.memory_space<semaphore_mem>> -> memref<!tpu.dma_semaphore, #tpu.memory_space<semaphore_mem>>
    %dma_start3A_303 = arith.constant 0 : i32
    %dma_start3A_304 = arith.constant 45056 : i32
    %dma_start3A_305 = tpu.memref_slice %arg1[%dma_start3A_303, %dma_start3A_304] : memref<128x100000xf32, #tpu.memory_space<any>> -> memref<128x4096xf32, #tpu.memory_space<any>>
    tpu.enqueue_dma source(%dma_start3A_305 : memref<128x4096xf32, #tpu.memory_space<any>>) target(%arg7 : memref<128x4096xf32, #tpu.memory_space<vmem>>) target_semaphore(%dma_start3A_302 : memref<!tpu.dma_semaphore, #tpu.memory_space<semaphore_mem>>)
    %dma_wait3A_306 = arith.constant 0 : i32
    %dma_wait3A_307 = tpu.memref_slice %arg10[%dma_wait3A_306] : memref<4x!tpu.dma_semaphore, #tpu.memory_space<semaphore_mem>> -> memref<1x!tpu.dma_semaphore, #tpu.memory_space<semaphore_mem>>
    %dma_wait3A_308 = tpu.memref_squeeze %dma_wait3A_307 : memref<1x!tpu.dma_semaphore, #tpu.memory_space<semaphore_mem>> -> memref<!tpu.dma_semaphore, #tpu.memory_space<semaphore_mem>>
    %dma_wait3A_309 = arith.constant 0 : i32
    %dma_wait3A_310 = arith.constant 32768 : i32
    %dma_wait3A_311 = tpu.memref_slice %arg1[%dma_wait3A_309, %dma_wait3A_310] : memref<128x100000xf32, #tpu.memory_space<any>> -> memref<128x4096xf32, #tpu.memory_space<any>>
    tpu.wait_dma2 semaphore(%dma_wait3A_308 : memref<!tpu.dma_semaphore, #tpu.memory_space<semaphore_mem>>) src(%dma_wait3A_311 : memref<128x4096xf32, #tpu.memory_space<any>>) dst(%arg4 : memref<128x4096xf32, #tpu.memory_space<vmem>>)
    %get3A_312 = arith.constant 0 : index
    %get3A_313 = arith.constant 0 : index
    %get3A_314 = vector.load %arg4[%get3A_312, %get3A_313] : memref<128x4096xf32, #tpu.memory_space<vmem>>, vector<128x4096xf32>
    %get3A_315 = arith.constant 0 : index
    %get3A_316 = arith.constant 0 : index
    %get3A_317 = vector.load %arg8[%get3A_315, %get3A_316] : memref<128x4096xf32, #tpu.memory_space<vmem>>, vector<128x4096xf32>
    %gt3A_318 = arith.cmpf ogt, %get3A_314, %get3A_317 : vector<128x4096xf32>
    %get3A_319 = arith.constant 0 : index
    %get3A_320 = arith.constant 0 : index
    %get3A_321 = vector.load %arg8[%get3A_319, %get3A_320] : memref<128x4096xf32, #tpu.memory_space<vmem>>, vector<128x4096xf32>
    %select_n3A_322 = arith.select %gt3A_318, %get3A_314, %get3A_321 : vector<128x4096xi1>, vector<128x4096xf32>
    %swap3A_323 = arith.constant 0 : index
    %swap3A_324 = arith.constant 0 : index
    %swap3A_325 = vector.load %arg8[%swap3A_323, %swap3A_324] : memref<128x4096xf32, #tpu.memory_space<vmem>>, vector<128x4096xf32>
    tpu.vector_store %arg8[%swap3A_323, %swap3A_324], %select_n3A_322 {strides = array<i32>} : memref<128x4096xf32, #tpu.memory_space<vmem>>, vector<128x4096xf32>,
    %get3A_326 = arith.constant 0 : index
    %get3A_327 = arith.constant 0 : index
    %get3A_328 = vector.load %arg9[%get3A_326, %get3A_327] : memref<128x4096xi32, #tpu.memory_space<vmem>>, vector<128x4096xi32>
    %jit3A_329 = arith.constant 8 : i32
    %broadcast_in_dim3A_330 = vector.broadcast %jit3A_329 : i32 to vector<128x4096xi32>
    %select_n3A_331 = arith.select %gt3A_318, %broadcast_in_dim3A_330, %get3A_328 : vector<128x4096xi1>, vector<128x4096xi32>
    %swap3A_332 = arith.constant 0 : index
    %swap3A_333 = arith.constant 0 : index
    %swap3A_334 = vector.load %arg9[%swap3A_332, %swap3A_333] : memref<128x4096xi32, #tpu.memory_space<vmem>>, vector<128x4096xi32>
    tpu.vector_store %arg9[%swap3A_332, %swap3A_333], %select_n3A_331 {strides = array<i32>} : memref<128x4096xi32, #tpu.memory_space<vmem>>, vector<128x4096xi32>,
    %dma_start3A_335 = arith.constant 0 : i32
    %dma_start3A_336 = tpu.memref_slice %arg10[%dma_start3A_335] : memref<4x!tpu.dma_semaphore, #tpu.memory_space<semaphore_mem>> -> memref<1x!tpu.dma_semaphore, #tpu.memory_space<semaphore_mem>>
    %dma_start3A_337 = tpu.memref_squeeze %dma_start3A_336 : memref<1x!tpu.dma_semaphore, #tpu.memory_space<semaphore_mem>> -> memref<!tpu.dma_semaphore, #tpu.memory_space<semaphore_mem>>
    %dma_start3A_338 = arith.constant 0 : i32
    %dma_start3A_339 = arith.constant 49152 : i32
    %dma_start3A_340 = tpu.memref_slice %arg1[%dma_start3A_338, %dma_start3A_339] : memref<128x100000xf32, #tpu.memory_space<any>> -> memref<128x4096xf32, #tpu.memory_space<any>>
    tpu.enqueue_dma source(%dma_start3A_340 : memref<128x4096xf32, #tpu.memory_space<any>>) target(%arg4 : memref<128x4096xf32, #tpu.memory_space<vmem>>) target_semaphore(%dma_start3A_337 : memref<!tpu.dma_semaphore, #tpu.memory_space<semaphore_mem>>)
    %dma_wait3A_341 = arith.constant 1 : i32
    %dma_wait3A_342 = tpu.memref_slice %arg10[%dma_wait3A_341] : memref<4x!tpu.dma_semaphore, #tpu.memory_space<semaphore_mem>> -> memref<1x!tpu.dma_semaphore, #tpu.memory_space<semaphore_mem>>
    %dma_wait3A_343 = tpu.memref_squeeze %dma_wait3A_342 : memref<1x!tpu.dma_semaphore, #tpu.memory_space<semaphore_mem>> -> memref<!tpu.dma_semaphore, #tpu.memory_space<semaphore_mem>>
    %dma_wait3A_344 = arith.constant 0 : i32
    %dma_wait3A_345 = arith.constant 36864 : i32
    %dma_wait3A_346 = tpu.memref_slice %arg1[%dma_wait3A_344, %dma_wait3A_345] : memref<128x100000xf32, #tpu.memory_space<any>> -> memref<128x4096xf32, #tpu.memory_space<any>>
    tpu.wait_dma2 semaphore(%dma_wait3A_343 : memref<!tpu.dma_semaphore, #tpu.memory_space<semaphore_mem>>) src(%dma_wait3A_346 : memref<128x4096xf32, #tpu.memory_space<any>>) dst(%arg5 : memref<128x4096xf32, #tpu.memory_space<vmem>>)
    %get3A_347 = arith.constant 0 : index
    %get3A_348 = arith.constant 0 : index
    %get3A_349 = vector.load %arg5[%get3A_347, %get3A_348] : memref<128x4096xf32, #tpu.memory_space<vmem>>, vector<128x4096xf32>
    %get3A_350 = arith.constant 0 : index
    %get3A_351 = arith.constant 0 : index
    %get3A_352 = vector.load %arg8[%get3A_350, %get3A_351] : memref<128x4096xf32, #tpu.memory_space<vmem>>, vector<128x4096xf32>
    %gt3A_353 = arith.cmpf ogt, %get3A_349, %get3A_352 : vector<128x4096xf32>
    %get3A_354 = arith.constant 0 : index
    %get3A_355 = arith.constant 0 : index
    %get3A_356 = vector.load %arg8[%get3A_354, %get3A_355] : memref<128x4096xf32, #tpu.memory_space<vmem>>, vector<128x4096xf32>
    %select_n3A_357 = arith.select %gt3A_353, %get3A_349, %get3A_356 : vector<128x4096xi1>, vector<128x4096xf32>
    %swap3A_358 = arith.constant 0 : index
    %swap3A_359 = arith.constant 0 : index
    %swap3A_360 = vector.load %arg8[%swap3A_358, %swap3A_359] : memref<128x4096xf32, #tpu.memory_space<vmem>>, vector<128x4096xf32>
    tpu.vector_store %arg8[%swap3A_358, %swap3A_359], %select_n3A_357 {strides = array<i32>} : memref<128x4096xf32, #tpu.memory_space<vmem>>, vector<128x4096xf32>,
    %get3A_361 = arith.constant 0 : index
    %get3A_362 = arith.constant 0 : index
    %get3A_363 = vector.load %arg9[%get3A_361, %get3A_362] : memref<128x4096xi32, #tpu.memory_space<vmem>>, vector<128x4096xi32>
    %jit3A_364 = arith.constant 9 : i32
    %broadcast_in_dim3A_365 = vector.broadcast %jit3A_364 : i32 to vector<128x4096xi32>
    %select_n3A_366 = arith.select %gt3A_353, %broadcast_in_dim3A_365, %get3A_363 : vector<128x4096xi1>, vector<128x4096xi32>
    %swap3A_367 = arith.constant 0 : index
    %swap3A_368 = arith.constant 0 : index
    %swap3A_369 = vector.load %arg9[%swap3A_367, %swap3A_368] : memref<128x4096xi32, #tpu.memory_space<vmem>>, vector<128x4096xi32>
    tpu.vector_store %arg9[%swap3A_367, %swap3A_368], %select_n3A_366 {strides = array<i32>} : memref<128x4096xi32, #tpu.memory_space<vmem>>, vector<128x4096xi32>,
    %dma_start3A_370 = arith.constant 1 : i32
    %dma_start3A_371 = tpu.memref_slice %arg10[%dma_start3A_370] : memref<4x!tpu.dma_semaphore, #tpu.memory_space<semaphore_mem>> -> memref<1x!tpu.dma_semaphore, #tpu.memory_space<semaphore_mem>>
    %dma_start3A_372 = tpu.memref_squeeze %dma_start3A_371 : memref<1x!tpu.dma_semaphore, #tpu.memory_space<semaphore_mem>> -> memref<!tpu.dma_semaphore, #tpu.memory_space<semaphore_mem>>
    %dma_start3A_373 = arith.constant 0 : i32
    %dma_start3A_374 = arith.constant 53248 : i32
    %dma_start3A_375 = tpu.memref_slice %arg1[%dma_start3A_373, %dma_start3A_374] : memref<128x100000xf32, #tpu.memory_space<any>> -> memref<128x4096xf32, #tpu.memory_space<any>>
    tpu.enqueue_dma source(%dma_start3A_375 : memref<128x4096xf32, #tpu.memory_space<any>>) target(%arg5 : memref<128x4096xf32, #tpu.memory_space<vmem>>) target_semaphore(%dma_start3A_372 : memref<!tpu.dma_semaphore, #tpu.memory_space<semaphore_mem>>)
    %dma_wait3A_376 = arith.constant 2 : i32
    %dma_wait3A_377 = tpu.memref_slice %arg10[%dma_wait3A_376] : memref<4x!tpu.dma_semaphore, #tpu.memory_space<semaphore_mem>> -> memref<1x!tpu.dma_semaphore, #tpu.memory_space<semaphore_mem>>
    %dma_wait3A_378 = tpu.memref_squeeze %dma_wait3A_377 : memref<1x!tpu.dma_semaphore, #tpu.memory_space<semaphore_mem>> -> memref<!tpu.dma_semaphore, #tpu.memory_space<semaphore_mem>>
    %dma_wait3A_379 = arith.constant 0 : i32
    %dma_wait3A_380 = arith.constant 40960 : i32
    %dma_wait3A_381 = tpu.memref_slice %arg1[%dma_wait3A_379, %dma_wait3A_380] : memref<128x100000xf32, #tpu.memory_space<any>> -> memref<128x4096xf32, #tpu.memory_space<any>>
    tpu.wait_dma2 semaphore(%dma_wait3A_378 : memref<!tpu.dma_semaphore, #tpu.memory_space<semaphore_mem>>) src(%dma_wait3A_381 : memref<128x4096xf32, #tpu.memory_space<any>>) dst(%arg6 : memref<128x4096xf32, #tpu.memory_space<vmem>>)
    %get3A_382 = arith.constant 0 : index
    %get3A_383 = arith.constant 0 : index
    %get3A_384 = vector.load %arg6[%get3A_382, %get3A_383] : memref<128x4096xf32, #tpu.memory_space<vmem>>, vector<128x4096xf32>
    %get3A_385 = arith.constant 0 : index
    %get3A_386 = arith.constant 0 : index
    %get3A_387 = vector.load %arg8[%get3A_385, %get3A_386] : memref<128x4096xf32, #tpu.memory_space<vmem>>, vector<128x4096xf32>
    %gt3A_388 = arith.cmpf ogt, %get3A_384, %get3A_387 : vector<128x4096xf32>
    %get3A_389 = arith.constant 0 : index
    %get3A_390 = arith.constant 0 : index
    %get3A_391 = vector.load %arg8[%get3A_389, %get3A_390] : memref<128x4096xf32, #tpu.memory_space<vmem>>, vector<128x4096xf32>
    %select_n3A_392 = arith.select %gt3A_388, %get3A_384, %get3A_391 : vector<128x4096xi1>, vector<128x4096xf32>
    %swap3A_393 = arith.constant 0 : index
    %swap3A_394 = arith.constant 0 : index
    %swap3A_395 = vector.load %arg8[%swap3A_393, %swap3A_394] : memref<128x4096xf32, #tpu.memory_space<vmem>>, vector<128x4096xf32>
    tpu.vector_store %arg8[%swap3A_393, %swap3A_394], %select_n3A_392 {strides = array<i32>} : memref<128x4096xf32, #tpu.memory_space<vmem>>, vector<128x4096xf32>,
    %get3A_396 = arith.constant 0 : index
    %get3A_397 = arith.constant 0 : index
    %get3A_398 = vector.load %arg9[%get3A_396, %get3A_397] : memref<128x4096xi32, #tpu.memory_space<vmem>>, vector<128x4096xi32>
    %jit3A_399 = arith.constant 10 : i32
    %broadcast_in_dim3A_400 = vector.broadcast %jit3A_399 : i32 to vector<128x4096xi32>
    %select_n3A_401 = arith.select %gt3A_388, %broadcast_in_dim3A_400, %get3A_398 : vector<128x4096xi1>, vector<128x4096xi32>
    %swap3A_402 = arith.constant 0 : index
    %swap3A_403 = arith.constant 0 : index
    %swap3A_404 = vector.load %arg9[%swap3A_402, %swap3A_403] : memref<128x4096xi32, #tpu.memory_space<vmem>>, vector<128x4096xi32>
    tpu.vector_store %arg9[%swap3A_402, %swap3A_403], %select_n3A_401 {strides = array<i32>} : memref<128x4096xi32, #tpu.memory_space<vmem>>, vector<128x4096xi32>,
    %dma_start3A_405 = arith.constant 2 : i32
    %dma_start3A_406 = tpu.memref_slice %arg10[%dma_start3A_405] : memref<4x!tpu.dma_semaphore, #tpu.memory_space<semaphore_mem>> -> memref<1x!tpu.dma_semaphore, #tpu.memory_space<semaphore_mem>>
    %dma_start3A_407 = tpu.memref_squeeze %dma_start3A_406 : memref<1x!tpu.dma_semaphore, #tpu.memory_space<semaphore_mem>> -> memref<!tpu.dma_semaphore, #tpu.memory_space<semaphore_mem>>
    %dma_start3A_408 = arith.constant 0 : i32
    %dma_start3A_409 = arith.constant 57344 : i32
    %dma_start3A_410 = tpu.memref_slice %arg1[%dma_start3A_408, %dma_start3A_409] : memref<128x100000xf32, #tpu.memory_space<any>> -> memref<128x4096xf32, #tpu.memory_space<any>>
    tpu.enqueue_dma source(%dma_start3A_410 : memref<128x4096xf32, #tpu.memory_space<any>>) target(%arg6 : memref<128x4096xf32, #tpu.memory_space<vmem>>) target_semaphore(%dma_start3A_407 : memref<!tpu.dma_semaphore, #tpu.memory_space<semaphore_mem>>)
    %dma_wait3A_411 = arith.constant 3 : i32
    %dma_wait3A_412 = tpu.memref_slice %arg10[%dma_wait3A_411] : memref<4x!tpu.dma_semaphore, #tpu.memory_space<semaphore_mem>> -> memref<1x!tpu.dma_semaphore, #tpu.memory_space<semaphore_mem>>
    %dma_wait3A_413 = tpu.memref_squeeze %dma_wait3A_412 : memref<1x!tpu.dma_semaphore, #tpu.memory_space<semaphore_mem>> -> memref<!tpu.dma_semaphore, #tpu.memory_space<semaphore_mem>>
    %dma_wait3A_414 = arith.constant 0 : i32
    %dma_wait3A_415 = arith.constant 45056 : i32
    %dma_wait3A_416 = tpu.memref_slice %arg1[%dma_wait3A_414, %dma_wait3A_415] : memref<128x100000xf32, #tpu.memory_space<any>> -> memref<128x4096xf32, #tpu.memory_space<any>>
    tpu.wait_dma2 semaphore(%dma_wait3A_413 : memref<!tpu.dma_semaphore, #tpu.memory_space<semaphore_mem>>) src(%dma_wait3A_416 : memref<128x4096xf32, #tpu.memory_space<any>>) dst(%arg7 : memref<128x4096xf32, #tpu.memory_space<vmem>>)
    %get3A_417 = arith.constant 0 : index
    %get3A_418 = arith.constant 0 : index
    %get3A_419 = vector.load %arg7[%get3A_417, %get3A_418] : memref<128x4096xf32, #tpu.memory_space<vmem>>, vector<128x4096xf32>
    %get3A_420 = arith.constant 0 : index
    %get3A_421 = arith.constant 0 : index
    %get3A_422 = vector.load %arg8[%get3A_420, %get3A_421] : memref<128x4096xf32, #tpu.memory_space<vmem>>, vector<128x4096xf32>
    %gt3A_423 = arith.cmpf ogt, %get3A_419, %get3A_422 : vector<128x4096xf32>
    %get3A_424 = arith.constant 0 : index
    %get3A_425 = arith.constant 0 : index
    %get3A_426 = vector.load %arg8[%get3A_424, %get3A_425] : memref<128x4096xf32, #tpu.memory_space<vmem>>, vector<128x4096xf32>
    %select_n3A_427 = arith.select %gt3A_423, %get3A_419, %get3A_426 : vector<128x4096xi1>, vector<128x4096xf32>
    %swap3A_428 = arith.constant 0 : index
    %swap3A_429 = arith.constant 0 : index
    %swap3A_430 = vector.load %arg8[%swap3A_428, %swap3A_429] : memref<128x4096xf32, #tpu.memory_space<vmem>>, vector<128x4096xf32>
    tpu.vector_store %arg8[%swap3A_428, %swap3A_429], %select_n3A_427 {strides = array<i32>} : memref<128x4096xf32, #tpu.memory_space<vmem>>, vector<128x4096xf32>,
    %get3A_431 = arith.constant 0 : index
    %get3A_432 = arith.constant 0 : index
    %get3A_433 = vector.load %arg9[%get3A_431, %get3A_432] : memref<128x4096xi32, #tpu.memory_space<vmem>>, vector<128x4096xi32>
    %jit3A_434 = arith.constant 11 : i32
    %broadcast_in_dim3A_435 = vector.broadcast %jit3A_434 : i32 to vector<128x4096xi32>
    %select_n3A_436 = arith.select %gt3A_423, %broadcast_in_dim3A_435, %get3A_433 : vector<128x4096xi1>, vector<128x4096xi32>
    %swap3A_437 = arith.constant 0 : index
    %swap3A_438 = arith.constant 0 : index
    %swap3A_439 = vector.load %arg9[%swap3A_437, %swap3A_438] : memref<128x4096xi32, #tpu.memory_space<vmem>>, vector<128x4096xi32>
    tpu.vector_store %arg9[%swap3A_437, %swap3A_438], %select_n3A_436 {strides = array<i32>} : memref<128x4096xi32, #tpu.memory_space<vmem>>, vector<128x4096xi32>,
    %dma_start3A_440 = arith.constant 3 : i32
    %dma_start3A_441 = tpu.memref_slice %arg10[%dma_start3A_440] : memref<4x!tpu.dma_semaphore, #tpu.memory_space<semaphore_mem>> -> memref<1x!tpu.dma_semaphore, #tpu.memory_space<semaphore_mem>>
    %dma_start3A_442 = tpu.memref_squeeze %dma_start3A_441 : memref<1x!tpu.dma_semaphore, #tpu.memory_space<semaphore_mem>> -> memref<!tpu.dma_semaphore, #tpu.memory_space<semaphore_mem>>
    %dma_start3A_443 = arith.constant 0 : i32
    %dma_start3A_444 = arith.constant 61440 : i32
    %dma_start3A_445 = tpu.memref_slice %arg1[%dma_start3A_443, %dma_start3A_444] : memref<128x100000xf32, #tpu.memory_space<any>> -> memref<128x4096xf32, #tpu.memory_space<any>>
    tpu.enqueue_dma source(%dma_start3A_445 : memref<128x4096xf32, #tpu.memory_space<any>>) target(%arg7 : memref<128x4096xf32, #tpu.memory_space<vmem>>) target_semaphore(%dma_start3A_442 : memref<!tpu.dma_semaphore, #tpu.memory_space<semaphore_mem>>)
    %dma_wait3A_446 = arith.constant 0 : i32
    %dma_wait3A_447 = tpu.memref_slice %arg10[%dma_wait3A_446] : memref<4x!tpu.dma_semaphore, #tpu.memory_space<semaphore_mem>> -> memref<1x!tpu.dma_semaphore, #tpu.memory_space<semaphore_mem>>
    %dma_wait3A_448 = tpu.memref_squeeze %dma_wait3A_447 : memref<1x!tpu.dma_semaphore, #tpu.memory_space<semaphore_mem>> -> memref<!tpu.dma_semaphore, #tpu.memory_space<semaphore_mem>>
    %dma_wait3A_449 = arith.constant 0 : i32
    %dma_wait3A_450 = arith.constant 49152 : i32
    %dma_wait3A_451 = tpu.memref_slice %arg1[%dma_wait3A_449, %dma_wait3A_450] : memref<128x100000xf32, #tpu.memory_space<any>> -> memref<128x4096xf32, #tpu.memory_space<any>>
    tpu.wait_dma2 semaphore(%dma_wait3A_448 : memref<!tpu.dma_semaphore, #tpu.memory_space<semaphore_mem>>) src(%dma_wait3A_451 : memref<128x4096xf32, #tpu.memory_space<any>>) dst(%arg4 : memref<128x4096xf32, #tpu.memory_space<vmem>>)
    %get3A_452 = arith.constant 0 : index
    %get3A_453 = arith.constant 0 : index
    %get3A_454 = vector.load %arg4[%get3A_452, %get3A_453] : memref<128x4096xf32, #tpu.memory_space<vmem>>, vector<128x4096xf32>
    %get3A_455 = arith.constant 0 : index
    %get3A_456 = arith.constant 0 : index
    %get3A_457 = vector.load %arg8[%get3A_455, %get3A_456] : memref<128x4096xf32, #tpu.memory_space<vmem>>, vector<128x4096xf32>
    %gt3A_458 = arith.cmpf ogt, %get3A_454, %get3A_457 : vector<128x4096xf32>
    %get3A_459 = arith.constant 0 : index
    %get3A_460 = arith.constant 0 : index
    %get3A_461 = vector.load %arg8[%get3A_459, %get3A_460] : memref<128x4096xf32, #tpu.memory_space<vmem>>, vector<128x4096xf32>
    %select_n3A_462 = arith.select %gt3A_458, %get3A_454, %get3A_461 : vector<128x4096xi1>, vector<128x4096xf32>
    %swap3A_463 = arith.constant 0 : index
    %swap3A_464 = arith.constant 0 : index
    %swap3A_465 = vector.load %arg8[%swap3A_463, %swap3A_464] : memref<128x4096xf32, #tpu.memory_space<vmem>>, vector<128x4096xf32>
    tpu.vector_store %arg8[%swap3A_463, %swap3A_464], %select_n3A_462 {strides = array<i32>} : memref<128x4096xf32, #tpu.memory_space<vmem>>, vector<128x4096xf32>,
    %get3A_466 = arith.constant 0 : index
    %get3A_467 = arith.constant 0 : index
    %get3A_468 = vector.load %arg9[%get3A_466, %get3A_467] : memref<128x4096xi32, #tpu.memory_space<vmem>>, vector<128x4096xi32>
    %jit3A_469 = arith.constant 12 : i32
    %broadcast_in_dim3A_470 = vector.broadcast %jit3A_469 : i32 to vector<128x4096xi32>
    %select_n3A_471 = arith.select %gt3A_458, %broadcast_in_dim3A_470, %get3A_468 : vector<128x4096xi1>, vector<128x4096xi32>
    %swap3A_472 = arith.constant 0 : index
    %swap3A_473 = arith.constant 0 : index
    %swap3A_474 = vector.load %arg9[%swap3A_472, %swap3A_473] : memref<128x4096xi32, #tpu.memory_space<vmem>>, vector<128x4096xi32>
    tpu.vector_store %arg9[%swap3A_472, %swap3A_473], %select_n3A_471 {strides = array<i32>} : memref<128x4096xi32, #tpu.memory_space<vmem>>, vector<128x4096xi32>,
    %dma_start3A_475 = arith.constant 0 : i32
    %dma_start3A_476 = tpu.memref_slice %arg10[%dma_start3A_475] : memref<4x!tpu.dma_semaphore, #tpu.memory_space<semaphore_mem>> -> memref<1x!tpu.dma_semaphore, #tpu.memory_space<semaphore_mem>>
    %dma_start3A_477 = tpu.memref_squeeze %dma_start3A_476 : memref<1x!tpu.dma_semaphore, #tpu.memory_space<semaphore_mem>> -> memref<!tpu.dma_semaphore, #tpu.memory_space<semaphore_mem>>
    %dma_start3A_478 = arith.constant 0 : i32
    %dma_start3A_479 = arith.constant 65536 : i32
    %dma_start3A_480 = tpu.memref_slice %arg1[%dma_start3A_478, %dma_start3A_479] : memref<128x100000xf32, #tpu.memory_space<any>> -> memref<128x4096xf32, #tpu.memory_space<any>>
    tpu.enqueue_dma source(%dma_start3A_480 : memref<128x4096xf32, #tpu.memory_space<any>>) target(%arg4 : memref<128x4096xf32, #tpu.memory_space<vmem>>) target_semaphore(%dma_start3A_477 : memref<!tpu.dma_semaphore, #tpu.memory_space<semaphore_mem>>)
    %dma_wait3A_481 = arith.constant 1 : i32
    %dma_wait3A_482 = tpu.memref_slice %arg10[%dma_wait3A_481] : memref<4x!tpu.dma_semaphore, #tpu.memory_space<semaphore_mem>> -> memref<1x!tpu.dma_semaphore, #tpu.memory_space<semaphore_mem>>
    %dma_wait3A_483 = tpu.memref_squeeze %dma_wait3A_482 : memref<1x!tpu.dma_semaphore, #tpu.memory_space<semaphore_mem>> -> memref<!tpu.dma_semaphore, #tpu.memory_space<semaphore_mem>>
    %dma_wait3A_484 = arith.constant 0 : i32
    %dma_wait3A_485 = arith.constant 53248 : i32
    %dma_wait3A_486 = tpu.memref_slice %arg1[%dma_wait3A_484, %dma_wait3A_485] : memref<128x100000xf32, #tpu.memory_space<any>> -> memref<128x4096xf32, #tpu.memory_space<any>>
    tpu.wait_dma2 semaphore(%dma_wait3A_483 : memref<!tpu.dma_semaphore, #tpu.memory_space<semaphore_mem>>) src(%dma_wait3A_486 : memref<128x4096xf32, #tpu.memory_space<any>>) dst(%arg5 : memref<128x4096xf32, #tpu.memory_space<vmem>>)
    %get3A_487 = arith.constant 0 : index
    %get3A_488 = arith.constant 0 : index
    %get3A_489 = vector.load %arg5[%get3A_487, %get3A_488] : memref<128x4096xf32, #tpu.memory_space<vmem>>, vector<128x4096xf32>
    %get3A_490 = arith.constant 0 : index
    %get3A_491 = arith.constant 0 : index
    %get3A_492 = vector.load %arg8[%get3A_490, %get3A_491] : memref<128x4096xf32, #tpu.memory_space<vmem>>, vector<128x4096xf32>
    %gt3A_493 = arith.cmpf ogt, %get3A_489, %get3A_492 : vector<128x4096xf32>
    %get3A_494 = arith.constant 0 : index
    %get3A_495 = arith.constant 0 : index
    %get3A_496 = vector.load %arg8[%get3A_494, %get3A_495] : memref<128x4096xf32, #tpu.memory_space<vmem>>, vector<128x4096xf32>
    %select_n3A_497 = arith.select %gt3A_493, %get3A_489, %get3A_496 : vector<128x4096xi1>, vector<128x4096xf32>
    %swap3A_498 = arith.constant 0 : index
    %swap3A_499 = arith.constant 0 : index
    %swap3A_500 = vector.load %arg8[%swap3A_498, %swap3A_499] : memref<128x4096xf32, #tpu.memory_space<vmem>>, vector<128x4096xf32>
    tpu.vector_store %arg8[%swap3A_498, %swap3A_499], %select_n3A_497 {strides = array<i32>} : memref<128x4096xf32, #tpu.memory_space<vmem>>, vector<128x4096xf32>,
    %get3A_501 = arith.constant 0 : index
    %get3A_502 = arith.constant 0 : index
    %get3A_503 = vector.load %arg9[%get3A_501, %get3A_502] : memref<128x4096xi32, #tpu.memory_space<vmem>>, vector<128x4096xi32>
    %jit3A_504 = arith.constant 13 : i32
    %broadcast_in_dim3A_505 = vector.broadcast %jit3A_504 : i32 to vector<128x4096xi32>
    %select_n3A_506 = arith.select %gt3A_493, %broadcast_in_dim3A_505, %get3A_503 : vector<128x4096xi1>, vector<128x4096xi32>
    %swap3A_507 = arith.constant 0 : index
    %swap3A_508 = arith.constant 0 : index
    %swap3A_509 = vector.load %arg9[%swap3A_507, %swap3A_508] : memref<128x4096xi32, #tpu.memory_space<vmem>>, vector<128x4096xi32>
    tpu.vector_store %arg9[%swap3A_507, %swap3A_508], %select_n3A_506 {strides = array<i32>} : memref<128x4096xi32, #tpu.memory_space<vmem>>, vector<128x4096xi32>,
    %dma_start3A_510 = arith.constant 1 : i32
    %dma_start3A_511 = tpu.memref_slice %arg10[%dma_start3A_510] : memref<4x!tpu.dma_semaphore, #tpu.memory_space<semaphore_mem>> -> memref<1x!tpu.dma_semaphore, #tpu.memory_space<semaphore_mem>>
    %dma_start3A_512 = tpu.memref_squeeze %dma_start3A_511 : memref<1x!tpu.dma_semaphore, #tpu.memory_space<semaphore_mem>> -> memref<!tpu.dma_semaphore, #tpu.memory_space<semaphore_mem>>
    %dma_start3A_513 = arith.constant 0 : i32
    %dma_start3A_514 = arith.constant 69632 : i32
    %dma_start3A_515 = tpu.memref_slice %arg1[%dma_start3A_513, %dma_start3A_514] : memref<128x100000xf32, #tpu.memory_space<any>> -> memref<128x4096xf32, #tpu.memory_space<any>>
    tpu.enqueue_dma source(%dma_start3A_515 : memref<128x4096xf32, #tpu.memory_space<any>>) target(%arg5 : memref<128x4096xf32, #tpu.memory_space<vmem>>) target_semaphore(%dma_start3A_512 : memref<!tpu.dma_semaphore, #tpu.memory_space<semaphore_mem>>)
    %dma_wait3A_516 = arith.constant 2 : i32
    %dma_wait3A_517 = tpu.memref_slice %arg10[%dma_wait3A_516] : memref<4x!tpu.dma_semaphore, #tpu.memory_space<semaphore_mem>> -> memref<1x!tpu.dma_semaphore, #tpu.memory_space<semaphore_mem>>
    %dma_wait3A_518 = tpu.memref_squeeze %dma_wait3A_517 : memref<1x!tpu.dma_semaphore, #tpu.memory_space<semaphore_mem>> -> memref<!tpu.dma_semaphore, #tpu.memory_space<semaphore_mem>>
    %dma_wait3A_519 = arith.constant 0 : i32
    %dma_wait3A_520 = arith.constant 57344 : i32
    %dma_wait3A_521 = tpu.memref_slice %arg1[%dma_wait3A_519, %dma_wait3A_520] : memref<128x100000xf32, #tpu.memory_space<any>> -> memref<128x4096xf32, #tpu.memory_space<any>>
    tpu.wait_dma2 semaphore(%dma_wait3A_518 : memref<!tpu.dma_semaphore, #tpu.memory_space<semaphore_mem>>) src(%dma_wait3A_521 : memref<128x4096xf32, #tpu.memory_space<any>>) dst(%arg6 : memref<128x4096xf32, #tpu.memory_space<vmem>>)
    %get3A_522 = arith.constant 0 : index
    %get3A_523 = arith.constant 0 : index
    %get3A_524 = vector.load %arg6[%get3A_522, %get3A_523] : memref<128x4096xf32, #tpu.memory_space<vmem>>, vector<128x4096xf32>
    %get3A_525 = arith.constant 0 : index
    %get3A_526 = arith.constant 0 : index
    %get3A_527 = vector.load %arg8[%get3A_525, %get3A_526] : memref<128x4096xf32, #tpu.memory_space<vmem>>, vector<128x4096xf32>
    %gt3A_528 = arith.cmpf ogt, %get3A_524, %get3A_527 : vector<128x4096xf32>
    %get3A_529 = arith.constant 0 : index
    %get3A_530 = arith.constant 0 : index
    %get3A_531 = vector.load %arg8[%get3A_529, %get3A_530] : memref<128x4096xf32, #tpu.memory_space<vmem>>, vector<128x4096xf32>
    %select_n3A_532 = arith.select %gt3A_528, %get3A_524, %get3A_531 : vector<128x4096xi1>, vector<128x4096xf32>
    %swap3A_533 = arith.constant 0 : index
    %swap3A_534 = arith.constant 0 : index
    %swap3A_535 = vector.load %arg8[%swap3A_533, %swap3A_534] : memref<128x4096xf32, #tpu.memory_space<vmem>>, vector<128x4096xf32>
    tpu.vector_store %arg8[%swap3A_533, %swap3A_534], %select_n3A_532 {strides = array<i32>} : memref<128x4096xf32, #tpu.memory_space<vmem>>, vector<128x4096xf32>,
    %get3A_536 = arith.constant 0 : index
    %get3A_537 = arith.constant 0 : index
    %get3A_538 = vector.load %arg9[%get3A_536, %get3A_537] : memref<128x4096xi32, #tpu.memory_space<vmem>>, vector<128x4096xi32>
    %jit3A_539 = arith.constant 14 : i32
    %broadcast_in_dim3A_540 = vector.broadcast %jit3A_539 : i32 to vector<128x4096xi32>
    %select_n3A_541 = arith.select %gt3A_528, %broadcast_in_dim3A_540, %get3A_538 : vector<128x4096xi1>, vector<128x4096xi32>
    %swap3A_542 = arith.constant 0 : index
    %swap3A_543 = arith.constant 0 : index
    %swap3A_544 = vector.load %arg9[%swap3A_542, %swap3A_543] : memref<128x4096xi32, #tpu.memory_space<vmem>>, vector<128x4096xi32>
    tpu.vector_store %arg9[%swap3A_542, %swap3A_543], %select_n3A_541 {strides = array<i32>} : memref<128x4096xi32, #tpu.memory_space<vmem>>, vector<128x4096xi32>,
    %dma_start3A_545 = arith.constant 2 : i32
    %dma_start3A_546 = tpu.memref_slice %arg10[%dma_start3A_545] : memref<4x!tpu.dma_semaphore, #tpu.memory_space<semaphore_mem>> -> memref<1x!tpu.dma_semaphore, #tpu.memory_space<semaphore_mem>>
    %dma_start3A_547 = tpu.memref_squeeze %dma_start3A_546 : memref<1x!tpu.dma_semaphore, #tpu.memory_space<semaphore_mem>> -> memref<!tpu.dma_semaphore, #tpu.memory_space<semaphore_mem>>
    %dma_start3A_548 = arith.constant 0 : i32
    %dma_start3A_549 = arith.constant 73728 : i32
    %dma_start3A_550 = tpu.memref_slice %arg1[%dma_start3A_548, %dma_start3A_549] : memref<128x100000xf32, #tpu.memory_space<any>> -> memref<128x4096xf32, #tpu.memory_space<any>>
    tpu.enqueue_dma source(%dma_start3A_550 : memref<128x4096xf32, #tpu.memory_space<any>>) target(%arg6 : memref<128x4096xf32, #tpu.memory_space<vmem>>) target_semaphore(%dma_start3A_547 : memref<!tpu.dma_semaphore, #tpu.memory_space<semaphore_mem>>)
    %dma_wait3A_551 = arith.constant 3 : i32
    %dma_wait3A_552 = tpu.memref_slice %arg10[%dma_wait3A_551] : memref<4x!tpu.dma_semaphore, #tpu.memory_space<semaphore_mem>> -> memref<1x!tpu.dma_semaphore, #tpu.memory_space<semaphore_mem>>
    %dma_wait3A_553 = tpu.memref_squeeze %dma_wait3A_552 : memref<1x!tpu.dma_semaphore, #tpu.memory_space<semaphore_mem>> -> memref<!tpu.dma_semaphore, #tpu.memory_space<semaphore_mem>>
    %dma_wait3A_554 = arith.constant 0 : i32
    %dma_wait3A_555 = arith.constant 61440 : i32
    %dma_wait3A_556 = tpu.memref_slice %arg1[%dma_wait3A_554, %dma_wait3A_555] : memref<128x100000xf32, #tpu.memory_space<any>> -> memref<128x4096xf32, #tpu.memory_space<any>>
    tpu.wait_dma2 semaphore(%dma_wait3A_553 : memref<!tpu.dma_semaphore, #tpu.memory_space<semaphore_mem>>) src(%dma_wait3A_556 : memref<128x4096xf32, #tpu.memory_space<any>>) dst(%arg7 : memref<128x4096xf32, #tpu.memory_space<vmem>>)
    %get3A_557 = arith.constant 0 : index
    %get3A_558 = arith.constant 0 : index
    %get3A_559 = vector.load %arg7[%get3A_557, %get3A_558] : memref<128x4096xf32, #tpu.memory_space<vmem>>, vector<128x4096xf32>
    %get3A_560 = arith.constant 0 : index
    %get3A_561 = arith.constant 0 : index
    %get3A_562 = vector.load %arg8[%get3A_560, %get3A_561] : memref<128x4096xf32, #tpu.memory_space<vmem>>, vector<128x4096xf32>
    %gt3A_563 = arith.cmpf ogt, %get3A_559, %get3A_562 : vector<128x4096xf32>
    %get3A_564 = arith.constant 0 : index
    %get3A_565 = arith.constant 0 : index
    %get3A_566 = vector.load %arg8[%get3A_564, %get3A_565] : memref<128x4096xf32, #tpu.memory_space<vmem>>, vector<128x4096xf32>
    %select_n3A_567 = arith.select %gt3A_563, %get3A_559, %get3A_566 : vector<128x4096xi1>, vector<128x4096xf32>
    %swap3A_568 = arith.constant 0 : index
    %swap3A_569 = arith.constant 0 : index
    %swap3A_570 = vector.load %arg8[%swap3A_568, %swap3A_569] : memref<128x4096xf32, #tpu.memory_space<vmem>>, vector<128x4096xf32>
    tpu.vector_store %arg8[%swap3A_568, %swap3A_569], %select_n3A_567 {strides = array<i32>} : memref<128x4096xf32, #tpu.memory_space<vmem>>, vector<128x4096xf32>,
    %get3A_571 = arith.constant 0 : index
    %get3A_572 = arith.constant 0 : index
    %get3A_573 = vector.load %arg9[%get3A_571, %get3A_572] : memref<128x4096xi32, #tpu.memory_space<vmem>>, vector<128x4096xi32>
    %jit3A_574 = arith.constant 15 : i32
    %broadcast_in_dim3A_575 = vector.broadcast %jit3A_574 : i32 to vector<128x4096xi32>
    %select_n3A_576 = arith.select %gt3A_563, %broadcast_in_dim3A_575, %get3A_573 : vector<128x4096xi1>, vector<128x4096xi32>
    %swap3A_577 = arith.constant 0 : index
    %swap3A_578 = arith.constant 0 : index
    %swap3A_579 = vector.load %arg9[%swap3A_577, %swap3A_578] : memref<128x4096xi32, #tpu.memory_space<vmem>>, vector<128x4096xi32>
    tpu.vector_store %arg9[%swap3A_577, %swap3A_578], %select_n3A_576 {strides = array<i32>} : memref<128x4096xi32, #tpu.memory_space<vmem>>, vector<128x4096xi32>,
    %dma_start3A_580 = arith.constant 3 : i32
    %dma_start3A_581 = tpu.memref_slice %arg10[%dma_start3A_580] : memref<4x!tpu.dma_semaphore, #tpu.memory_space<semaphore_mem>> -> memref<1x!tpu.dma_semaphore, #tpu.memory_space<semaphore_mem>>
    %dma_start3A_582 = tpu.memref_squeeze %dma_start3A_581 : memref<1x!tpu.dma_semaphore, #tpu.memory_space<semaphore_mem>> -> memref<!tpu.dma_semaphore, #tpu.memory_space<semaphore_mem>>
    %dma_start3A_583 = arith.constant 0 : i32
    %dma_start3A_584 = arith.constant 77824 : i32
    %dma_start3A_585 = tpu.memref_slice %arg1[%dma_start3A_583, %dma_start3A_584] : memref<128x100000xf32, #tpu.memory_space<any>> -> memref<128x4096xf32, #tpu.memory_space<any>>
    tpu.enqueue_dma source(%dma_start3A_585 : memref<128x4096xf32, #tpu.memory_space<any>>) target(%arg7 : memref<128x4096xf32, #tpu.memory_space<vmem>>) target_semaphore(%dma_start3A_582 : memref<!tpu.dma_semaphore, #tpu.memory_space<semaphore_mem>>)
    %dma_wait3A_586 = arith.constant 0 : i32
    %dma_wait3A_587 = tpu.memref_slice %arg10[%dma_wait3A_586] : memref<4x!tpu.dma_semaphore, #tpu.memory_space<semaphore_mem>> -> memref<1x!tpu.dma_semaphore, #tpu.memory_space<semaphore_mem>>
    %dma_wait3A_588 = tpu.memref_squeeze %dma_wait3A_587 : memref<1x!tpu.dma_semaphore, #tpu.memory_space<semaphore_mem>> -> memref<!tpu.dma_semaphore, #tpu.memory_space<semaphore_mem>>
    %dma_wait3A_589 = arith.constant 0 : i32
    %dma_wait3A_590 = arith.constant 65536 : i32
    %dma_wait3A_591 = tpu.memref_slice %arg1[%dma_wait3A_589, %dma_wait3A_590] : memref<128x100000xf32, #tpu.memory_space<any>> -> memref<128x4096xf32, #tpu.memory_space<any>>
    tpu.wait_dma2 semaphore(%dma_wait3A_588 : memref<!tpu.dma_semaphore, #tpu.memory_space<semaphore_mem>>) src(%dma_wait3A_591 : memref<128x4096xf32, #tpu.memory_space<any>>) dst(%arg4 : memref<128x4096xf32, #tpu.memory_space<vmem>>)
    %get3A_592 = arith.constant 0 : index
    %get3A_593 = arith.constant 0 : index
    %get3A_594 = vector.load %arg4[%get3A_592, %get3A_593] : memref<128x4096xf32, #tpu.memory_space<vmem>>, vector<128x4096xf32>
    %get3A_595 = arith.constant 0 : index
    %get3A_596 = arith.constant 0 : index
    %get3A_597 = vector.load %arg8[%get3A_595, %get3A_596] : memref<128x4096xf32, #tpu.memory_space<vmem>>, vector<128x4096xf32>
    %gt3A_598 = arith.cmpf ogt, %get3A_594, %get3A_597 : vector<128x4096xf32>
    %get3A_599 = arith.constant 0 : index
    %get3A_600 = arith.constant 0 : index
    %get3A_601 = vector.load %arg8[%get3A_599, %get3A_600] : memref<128x4096xf32, #tpu.memory_space<vmem>>, vector<128x4096xf32>
    %select_n3A_602 = arith.select %gt3A_598, %get3A_594, %get3A_601 : vector<128x4096xi1>, vector<128x4096xf32>
    %swap3A_603 = arith.constant 0 : index
    %swap3A_604 = arith.constant 0 : index
    %swap3A_605 = vector.load %arg8[%swap3A_603, %swap3A_604] : memref<128x4096xf32, #tpu.memory_space<vmem>>, vector<128x4096xf32>
    tpu.vector_store %arg8[%swap3A_603, %swap3A_604], %select_n3A_602 {strides = array<i32>} : memref<128x4096xf32, #tpu.memory_space<vmem>>, vector<128x4096xf32>,
    %get3A_606 = arith.constant 0 : index
    %get3A_607 = arith.constant 0 : index
    %get3A_608 = vector.load %arg9[%get3A_606, %get3A_607] : memref<128x4096xi32, #tpu.memory_space<vmem>>, vector<128x4096xi32>
    %jit3A_609 = arith.constant 16 : i32
    %broadcast_in_dim3A_610 = vector.broadcast %jit3A_609 : i32 to vector<128x4096xi32>
    %select_n3A_611 = arith.select %gt3A_598, %broadcast_in_dim3A_610, %get3A_608 : vector<128x4096xi1>, vector<128x4096xi32>
    %swap3A_612 = arith.constant 0 : index
    %swap3A_613 = arith.constant 0 : index
    %swap3A_614 = vector.load %arg9[%swap3A_612, %swap3A_613] : memref<128x4096xi32, #tpu.memory_space<vmem>>, vector<128x4096xi32>
    tpu.vector_store %arg9[%swap3A_612, %swap3A_613], %select_n3A_611 {strides = array<i32>} : memref<128x4096xi32, #tpu.memory_space<vmem>>, vector<128x4096xi32>,
    %dma_start3A_615 = arith.constant 0 : i32
    %dma_start3A_616 = tpu.memref_slice %arg10[%dma_start3A_615] : memref<4x!tpu.dma_semaphore, #tpu.memory_space<semaphore_mem>> -> memref<1x!tpu.dma_semaphore, #tpu.memory_space<semaphore_mem>>
    %dma_start3A_617 = tpu.memref_squeeze %dma_start3A_616 : memref<1x!tpu.dma_semaphore, #tpu.memory_space<semaphore_mem>> -> memref<!tpu.dma_semaphore, #tpu.memory_space<semaphore_mem>>
    %dma_start3A_618 = arith.constant 0 : i32
    %dma_start3A_619 = arith.constant 81920 : i32
    %dma_start3A_620 = tpu.memref_slice %arg1[%dma_start3A_618, %dma_start3A_619] : memref<128x100000xf32, #tpu.memory_space<any>> -> memref<128x4096xf32, #tpu.memory_space<any>>
    tpu.enqueue_dma source(%dma_start3A_620 : memref<128x4096xf32, #tpu.memory_space<any>>) target(%arg4 : memref<128x4096xf32, #tpu.memory_space<vmem>>) target_semaphore(%dma_start3A_617 : memref<!tpu.dma_semaphore, #tpu.memory_space<semaphore_mem>>)
    %dma_wait3A_621 = arith.constant 1 : i32
    %dma_wait3A_622 = tpu.memref_slice %arg10[%dma_wait3A_621] : memref<4x!tpu.dma_semaphore, #tpu.memory_space<semaphore_mem>> -> memref<1x!tpu.dma_semaphore, #tpu.memory_space<semaphore_mem>>
    %dma_wait3A_623 = tpu.memref_squeeze %dma_wait3A_622 : memref<1x!tpu.dma_semaphore, #tpu.memory_space<semaphore_mem>> -> memref<!tpu.dma_semaphore, #tpu.memory_space<semaphore_mem>>
    %dma_wait3A_624 = arith.constant 0 : i32
    %dma_wait3A_625 = arith.constant 69632 : i32
    %dma_wait3A_626 = tpu.memref_slice %arg1[%dma_wait3A_624, %dma_wait3A_625] : memref<128x100000xf32, #tpu.memory_space<any>> -> memref<128x4096xf32, #tpu.memory_space<any>>
    tpu.wait_dma2 semaphore(%dma_wait3A_623 : memref<!tpu.dma_semaphore, #tpu.memory_space<semaphore_mem>>) src(%dma_wait3A_626 : memref<128x4096xf32, #tpu.memory_space<any>>) dst(%arg5 : memref<128x4096xf32, #tpu.memory_space<vmem>>)
    %get3A_627 = arith.constant 0 : index
    %get3A_628 = arith.constant 0 : index
    %get3A_629 = vector.load %arg5[%get3A_627, %get3A_628] : memref<128x4096xf32, #tpu.memory_space<vmem>>, vector<128x4096xf32>
    %get3A_630 = arith.constant 0 : index
    %get3A_631 = arith.constant 0 : index
    %get3A_632 = vector.load %arg8[%get3A_630, %get3A_631] : memref<128x4096xf32, #tpu.memory_space<vmem>>, vector<128x4096xf32>
    %gt3A_633 = arith.cmpf ogt, %get3A_629, %get3A_632 : vector<128x4096xf32>
    %get3A_634 = arith.constant 0 : index
    %get3A_635 = arith.constant 0 : index
    %get3A_636 = vector.load %arg8[%get3A_634, %get3A_635] : memref<128x4096xf32, #tpu.memory_space<vmem>>, vector<128x4096xf32>
    %select_n3A_637 = arith.select %gt3A_633, %get3A_629, %get3A_636 : vector<128x4096xi1>, vector<128x4096xf32>
    %swap3A_638 = arith.constant 0 : index
    %swap3A_639 = arith.constant 0 : index
    %swap3A_640 = vector.load %arg8[%swap3A_638, %swap3A_639] : memref<128x4096xf32, #tpu.memory_space<vmem>>, vector<128x4096xf32>
    tpu.vector_store %arg8[%swap3A_638, %swap3A_639], %select_n3A_637 {strides = array<i32>} : memref<128x4096xf32, #tpu.memory_space<vmem>>, vector<128x4096xf32>,
    %get3A_641 = arith.constant 0 : index
    %get3A_642 = arith.constant 0 : index
    %get3A_643 = vector.load %arg9[%get3A_641, %get3A_642] : memref<128x4096xi32, #tpu.memory_space<vmem>>, vector<128x4096xi32>
    %jit3A_644 = arith.constant 17 : i32
    %broadcast_in_dim3A_645 = vector.broadcast %jit3A_644 : i32 to vector<128x4096xi32>
    %select_n3A_646 = arith.select %gt3A_633, %broadcast_in_dim3A_645, %get3A_643 : vector<128x4096xi1>, vector<128x4096xi32>
    %swap3A_647 = arith.constant 0 : index
    %swap3A_648 = arith.constant 0 : index
    %swap3A_649 = vector.load %arg9[%swap3A_647, %swap3A_648] : memref<128x4096xi32, #tpu.memory_space<vmem>>, vector<128x4096xi32>
    tpu.vector_store %arg9[%swap3A_647, %swap3A_648], %select_n3A_646 {strides = array<i32>} : memref<128x4096xi32, #tpu.memory_space<vmem>>, vector<128x4096xi32>,
    %dma_start3A_650 = arith.constant 1 : i32
    %dma_start3A_651 = tpu.memref_slice %arg10[%dma_start3A_650] : memref<4x!tpu.dma_semaphore, #tpu.memory_space<semaphore_mem>> -> memref<1x!tpu.dma_semaphore, #tpu.memory_space<semaphore_mem>>
    %dma_start3A_652 = tpu.memref_squeeze %dma_start3A_651 : memref<1x!tpu.dma_semaphore, #tpu.memory_space<semaphore_mem>> -> memref<!tpu.dma_semaphore, #tpu.memory_space<semaphore_mem>>
    %dma_start3A_653 = arith.constant 0 : i32
    %dma_start3A_654 = arith.constant 86016 : i32
    %dma_start3A_655 = tpu.memref_slice %arg1[%dma_start3A_653, %dma_start3A_654] : memref<128x100000xf32, #tpu.memory_space<any>> -> memref<128x4096xf32, #tpu.memory_space<any>>
    tpu.enqueue_dma source(%dma_start3A_655 : memref<128x4096xf32, #tpu.memory_space<any>>) target(%arg5 : memref<128x4096xf32, #tpu.memory_space<vmem>>) target_semaphore(%dma_start3A_652 : memref<!tpu.dma_semaphore, #tpu.memory_space<semaphore_mem>>)
    %dma_wait3A_656 = arith.constant 2 : i32
    %dma_wait3A_657 = tpu.memref_slice %arg10[%dma_wait3A_656] : memref<4x!tpu.dma_semaphore, #tpu.memory_space<semaphore_mem>> -> memref<1x!tpu.dma_semaphore, #tpu.memory_space<semaphore_mem>>
    %dma_wait3A_658 = tpu.memref_squeeze %dma_wait3A_657 : memref<1x!tpu.dma_semaphore, #tpu.memory_space<semaphore_mem>> -> memref<!tpu.dma_semaphore, #tpu.memory_space<semaphore_mem>>
    %dma_wait3A_659 = arith.constant 0 : i32
    %dma_wait3A_660 = arith.constant 73728 : i32
    %dma_wait3A_661 = tpu.memref_slice %arg1[%dma_wait3A_659, %dma_wait3A_660] : memref<128x100000xf32, #tpu.memory_space<any>> -> memref<128x4096xf32, #tpu.memory_space<any>>
    tpu.wait_dma2 semaphore(%dma_wait3A_658 : memref<!tpu.dma_semaphore, #tpu.memory_space<semaphore_mem>>) src(%dma_wait3A_661 : memref<128x4096xf32, #tpu.memory_space<any>>) dst(%arg6 : memref<128x4096xf32, #tpu.memory_space<vmem>>)
    %get3A_662 = arith.constant 0 : index
    %get3A_663 = arith.constant 0 : index
    %get3A_664 = vector.load %arg6[%get3A_662, %get3A_663] : memref<128x4096xf32, #tpu.memory_space<vmem>>, vector<128x4096xf32>
    %get3A_665 = arith.constant 0 : index
    %get3A_666 = arith.constant 0 : index
    %get3A_667 = vector.load %arg8[%get3A_665, %get3A_666] : memref<128x4096xf32, #tpu.memory_space<vmem>>, vector<128x4096xf32>
    %gt3A_668 = arith.cmpf ogt, %get3A_664, %get3A_667 : vector<128x4096xf32>
    %get3A_669 = arith.constant 0 : index
    %get3A_670 = arith.constant 0 : index
    %get3A_671 = vector.load %arg8[%get3A_669, %get3A_670] : memref<128x4096xf32, #tpu.memory_space<vmem>>, vector<128x4096xf32>
    %select_n3A_672 = arith.select %gt3A_668, %get3A_664, %get3A_671 : vector<128x4096xi1>, vector<128x4096xf32>
    %swap3A_673 = arith.constant 0 : index
    %swap3A_674 = arith.constant 0 : index
    %swap3A_675 = vector.load %arg8[%swap3A_673, %swap3A_674] : memref<128x4096xf32, #tpu.memory_space<vmem>>, vector<128x4096xf32>
    tpu.vector_store %arg8[%swap3A_673, %swap3A_674], %select_n3A_672 {strides = array<i32>} : memref<128x4096xf32, #tpu.memory_space<vmem>>, vector<128x4096xf32>,
    %get3A_676 = arith.constant 0 : index
    %get3A_677 = arith.constant 0 : index
    %get3A_678 = vector.load %arg9[%get3A_676, %get3A_677] : memref<128x4096xi32, #tpu.memory_space<vmem>>, vector<128x4096xi32>
    %jit3A_679 = arith.constant 18 : i32
    %broadcast_in_dim3A_680 = vector.broadcast %jit3A_679 : i32 to vector<128x4096xi32>
    %select_n3A_681 = arith.select %gt3A_668, %broadcast_in_dim3A_680, %get3A_678 : vector<128x4096xi1>, vector<128x4096xi32>
    %swap3A_682 = arith.constant 0 : index
    %swap3A_683 = arith.constant 0 : index
    %swap3A_684 = vector.load %arg9[%swap3A_682, %swap3A_683] : memref<128x4096xi32, #tpu.memory_space<vmem>>, vector<128x4096xi32>
    tpu.vector_store %arg9[%swap3A_682, %swap3A_683], %select_n3A_681 {strides = array<i32>} : memref<128x4096xi32, #tpu.memory_space<vmem>>, vector<128x4096xi32>,
    %dma_start3A_685 = arith.constant 2 : i32
    %dma_start3A_686 = tpu.memref_slice %arg10[%dma_start3A_685] : memref<4x!tpu.dma_semaphore, #tpu.memory_space<semaphore_mem>> -> memref<1x!tpu.dma_semaphore, #tpu.memory_space<semaphore_mem>>
    %dma_start3A_687 = tpu.memref_squeeze %dma_start3A_686 : memref<1x!tpu.dma_semaphore, #tpu.memory_space<semaphore_mem>> -> memref<!tpu.dma_semaphore, #tpu.memory_space<semaphore_mem>>
    %dma_start3A_688 = arith.constant 0 : i32
    %dma_start3A_689 = arith.constant 90112 : i32
    %dma_start3A_690 = tpu.memref_slice %arg1[%dma_start3A_688, %dma_start3A_689] : memref<128x100000xf32, #tpu.memory_space<any>> -> memref<128x4096xf32, #tpu.memory_space<any>>
    tpu.enqueue_dma source(%dma_start3A_690 : memref<128x4096xf32, #tpu.memory_space<any>>) target(%arg6 : memref<128x4096xf32, #tpu.memory_space<vmem>>) target_semaphore(%dma_start3A_687 : memref<!tpu.dma_semaphore, #tpu.memory_space<semaphore_mem>>)
    %dma_wait3A_691 = arith.constant 3 : i32
    %dma_wait3A_692 = tpu.memref_slice %arg10[%dma_wait3A_691] : memref<4x!tpu.dma_semaphore, #tpu.memory_space<semaphore_mem>> -> memref<1x!tpu.dma_semaphore, #tpu.memory_space<semaphore_mem>>
    %dma_wait3A_693 = tpu.memref_squeeze %dma_wait3A_692 : memref<1x!tpu.dma_semaphore, #tpu.memory_space<semaphore_mem>> -> memref<!tpu.dma_semaphore, #tpu.memory_space<semaphore_mem>>
    %dma_wait3A_694 = arith.constant 0 : i32
    %dma_wait3A_695 = arith.constant 77824 : i32
    %dma_wait3A_696 = tpu.memref_slice %arg1[%dma_wait3A_694, %dma_wait3A_695] : memref<128x100000xf32, #tpu.memory_space<any>> -> memref<128x4096xf32, #tpu.memory_space<any>>
    tpu.wait_dma2 semaphore(%dma_wait3A_693 : memref<!tpu.dma_semaphore, #tpu.memory_space<semaphore_mem>>) src(%dma_wait3A_696 : memref<128x4096xf32, #tpu.memory_space<any>>) dst(%arg7 : memref<128x4096xf32, #tpu.memory_space<vmem>>)
    %get3A_697 = arith.constant 0 : index
    %get3A_698 = arith.constant 0 : index
    %get3A_699 = vector.load %arg7[%get3A_697, %get3A_698] : memref<128x4096xf32, #tpu.memory_space<vmem>>, vector<128x4096xf32>
    %get3A_700 = arith.constant 0 : index
    %get3A_701 = arith.constant 0 : index
    %get3A_702 = vector.load %arg8[%get3A_700, %get3A_701] : memref<128x4096xf32, #tpu.memory_space<vmem>>, vector<128x4096xf32>
    %gt3A_703 = arith.cmpf ogt, %get3A_699, %get3A_702 : vector<128x4096xf32>
    %get3A_704 = arith.constant 0 : index
    %get3A_705 = arith.constant 0 : index
    %get3A_706 = vector.load %arg8[%get3A_704, %get3A_705] : memref<128x4096xf32, #tpu.memory_space<vmem>>, vector<128x4096xf32>
    %select_n3A_707 = arith.select %gt3A_703, %get3A_699, %get3A_706 : vector<128x4096xi1>, vector<128x4096xf32>
    %swap3A_708 = arith.constant 0 : index
    %swap3A_709 = arith.constant 0 : index
    %swap3A_710 = vector.load %arg8[%swap3A_708, %swap3A_709] : memref<128x4096xf32, #tpu.memory_space<vmem>>, vector<128x4096xf32>
    tpu.vector_store %arg8[%swap3A_708, %swap3A_709], %select_n3A_707 {strides = array<i32>} : memref<128x4096xf32, #tpu.memory_space<vmem>>, vector<128x4096xf32>,
    %get3A_711 = arith.constant 0 : index
    %get3A_712 = arith.constant 0 : index
    %get3A_713 = vector.load %arg9[%get3A_711, %get3A_712] : memref<128x4096xi32, #tpu.memory_space<vmem>>, vector<128x4096xi32>
    %jit3A_714 = arith.constant 19 : i32
    %broadcast_in_dim3A_715 = vector.broadcast %jit3A_714 : i32 to vector<128x4096xi32>
    %select_n3A_716 = arith.select %gt3A_703, %broadcast_in_dim3A_715, %get3A_713 : vector<128x4096xi1>, vector<128x4096xi32>
    %swap3A_717 = arith.constant 0 : index
    %swap3A_718 = arith.constant 0 : index
    %swap3A_719 = vector.load %arg9[%swap3A_717, %swap3A_718] : memref<128x4096xi32, #tpu.memory_space<vmem>>, vector<128x4096xi32>
    tpu.vector_store %arg9[%swap3A_717, %swap3A_718], %select_n3A_716 {strides = array<i32>} : memref<128x4096xi32, #tpu.memory_space<vmem>>, vector<128x4096xi32>,
    %dma_start3A_720 = arith.constant 3 : i32
    %dma_start3A_721 = tpu.memref_slice %arg10[%dma_start3A_720] : memref<4x!tpu.dma_semaphore, #tpu.memory_space<semaphore_mem>> -> memref<1x!tpu.dma_semaphore, #tpu.memory_space<semaphore_mem>>
    %dma_start3A_722 = tpu.memref_squeeze %dma_start3A_721 : memref<1x!tpu.dma_semaphore, #tpu.memory_space<semaphore_mem>> -> memref<!tpu.dma_semaphore, #tpu.memory_space<semaphore_mem>>
    %dma_start3A_723 = arith.constant 0 : i32
    %dma_start3A_724 = arith.constant 94208 : i32
    %dma_start3A_725 = tpu.memref_slice %arg1[%dma_start3A_723, %dma_start3A_724] : memref<128x100000xf32, #tpu.memory_space<any>> -> memref<128x4096xf32, #tpu.memory_space<any>>
    tpu.enqueue_dma source(%dma_start3A_725 : memref<128x4096xf32, #tpu.memory_space<any>>) target(%arg7 : memref<128x4096xf32, #tpu.memory_space<vmem>>) target_semaphore(%dma_start3A_722 : memref<!tpu.dma_semaphore, #tpu.memory_space<semaphore_mem>>)
    %dma_wait3A_726 = arith.constant 0 : i32
    %dma_wait3A_727 = tpu.memref_slice %arg10[%dma_wait3A_726] : memref<4x!tpu.dma_semaphore, #tpu.memory_space<semaphore_mem>> -> memref<1x!tpu.dma_semaphore, #tpu.memory_space<semaphore_mem>>
    %dma_wait3A_728 = tpu.memref_squeeze %dma_wait3A_727 : memref<1x!tpu.dma_semaphore, #tpu.memory_space<semaphore_mem>> -> memref<!tpu.dma_semaphore, #tpu.memory_space<semaphore_mem>>
    %dma_wait3A_729 = arith.constant 0 : i32
    %dma_wait3A_730 = arith.constant 81920 : i32
    %dma_wait3A_731 = tpu.memref_slice %arg1[%dma_wait3A_729, %dma_wait3A_730] : memref<128x100000xf32, #tpu.memory_space<any>> -> memref<128x4096xf32, #tpu.memory_space<any>>
    tpu.wait_dma2 semaphore(%dma_wait3A_728 : memref<!tpu.dma_semaphore, #tpu.memory_space<semaphore_mem>>) src(%dma_wait3A_731 : memref<128x4096xf32, #tpu.memory_space<any>>) dst(%arg4 : memref<128x4096xf32, #tpu.memory_space<vmem>>)
    %get3A_732 = arith.constant 0 : index
    %get3A_733 = arith.constant 0 : index
    %get3A_734 = vector.load %arg4[%get3A_732, %get3A_733] : memref<128x4096xf32, #tpu.memory_space<vmem>>, vector<128x4096xf32>
    %get3A_735 = arith.constant 0 : index
    %get3A_736 = arith.constant 0 : index
    %get3A_737 = vector.load %arg8[%get3A_735, %get3A_736] : memref<128x4096xf32, #tpu.memory_space<vmem>>, vector<128x4096xf32>
    %gt3A_738 = arith.cmpf ogt, %get3A_734, %get3A_737 : vector<128x4096xf32>
    %get3A_739 = arith.constant 0 : index
    %get3A_740 = arith.constant 0 : index
    %get3A_741 = vector.load %arg8[%get3A_739, %get3A_740] : memref<128x4096xf32, #tpu.memory_space<vmem>>, vector<128x4096xf32>
    %select_n3A_742 = arith.select %gt3A_738, %get3A_734, %get3A_741 : vector<128x4096xi1>, vector<128x4096xf32>
    %swap3A_743 = arith.constant 0 : index
    %swap3A_744 = arith.constant 0 : index
    %swap3A_745 = vector.load %arg8[%swap3A_743, %swap3A_744] : memref<128x4096xf32, #tpu.memory_space<vmem>>, vector<128x4096xf32>
    tpu.vector_store %arg8[%swap3A_743, %swap3A_744], %select_n3A_742 {strides = array<i32>} : memref<128x4096xf32, #tpu.memory_space<vmem>>, vector<128x4096xf32>,
    %get3A_746 = arith.constant 0 : index
    %get3A_747 = arith.constant 0 : index
    %get3A_748 = vector.load %arg9[%get3A_746, %get3A_747] : memref<128x4096xi32, #tpu.memory_space<vmem>>, vector<128x4096xi32>
    %jit3A_749 = arith.constant 20 : i32
    %broadcast_in_dim3A_750 = vector.broadcast %jit3A_749 : i32 to vector<128x4096xi32>
    %select_n3A_751 = arith.select %gt3A_738, %broadcast_in_dim3A_750, %get3A_748 : vector<128x4096xi1>, vector<128x4096xi32>
    %swap3A_752 = arith.constant 0 : index
    %swap3A_753 = arith.constant 0 : index
    %swap3A_754 = vector.load %arg9[%swap3A_752, %swap3A_753] : memref<128x4096xi32, #tpu.memory_space<vmem>>, vector<128x4096xi32>
    tpu.vector_store %arg9[%swap3A_752, %swap3A_753], %select_n3A_751 {strides = array<i32>} : memref<128x4096xi32, #tpu.memory_space<vmem>>, vector<128x4096xi32>,
    %dma_wait3A_755 = arith.constant 1 : i32
    %dma_wait3A_756 = tpu.memref_slice %arg10[%dma_wait3A_755] : memref<4x!tpu.dma_semaphore, #tpu.memory_space<semaphore_mem>> -> memref<1x!tpu.dma_semaphore, #tpu.memory_space<semaphore_mem>>
    %dma_wait3A_757 = tpu.memref_squeeze %dma_wait3A_756 : memref<1x!tpu.dma_semaphore, #tpu.memory_space<semaphore_mem>> -> memref<!tpu.dma_semaphore, #tpu.memory_space<semaphore_mem>>
    %dma_wait3A_758 = arith.constant 0 : i32
    %dma_wait3A_759 = arith.constant 86016 : i32
    %dma_wait3A_760 = tpu.memref_slice %arg1[%dma_wait3A_758, %dma_wait3A_759] : memref<128x100000xf32, #tpu.memory_space<any>> -> memref<128x4096xf32, #tpu.memory_space<any>>
    tpu.wait_dma2 semaphore(%dma_wait3A_757 : memref<!tpu.dma_semaphore, #tpu.memory_space<semaphore_mem>>) src(%dma_wait3A_760 : memref<128x4096xf32, #tpu.memory_space<any>>) dst(%arg5 : memref<128x4096xf32, #tpu.memory_space<vmem>>)
    %get3A_761 = arith.constant 0 : index
    %get3A_762 = arith.constant 0 : index
    %get3A_763 = vector.load %arg5[%get3A_761, %get3A_762] : memref<128x4096xf32, #tpu.memory_space<vmem>>, vector<128x4096xf32>
    %get3A_764 = arith.constant 0 : index
    %get3A_765 = arith.constant 0 : index
    %get3A_766 = vector.load %arg8[%get3A_764, %get3A_765] : memref<128x4096xf32, #tpu.memory_space<vmem>>, vector<128x4096xf32>
    %gt3A_767 = arith.cmpf ogt, %get3A_763, %get3A_766 : vector<128x4096xf32>
    %get3A_768 = arith.constant 0 : index
    %get3A_769 = arith.constant 0 : index
    %get3A_770 = vector.load %arg8[%get3A_768, %get3A_769] : memref<128x4096xf32, #tpu.memory_space<vmem>>, vector<128x4096xf32>
    %select_n3A_771 = arith.select %gt3A_767, %get3A_763, %get3A_770 : vector<128x4096xi1>, vector<128x4096xf32>
    %swap3A_772 = arith.constant 0 : index
    %swap3A_773 = arith.constant 0 : index
    %swap3A_774 = vector.load %arg8[%swap3A_772, %swap3A_773] : memref<128x4096xf32, #tpu.memory_space<vmem>>, vector<128x4096xf32>
    tpu.vector_store %arg8[%swap3A_772, %swap3A_773], %select_n3A_771 {strides = array<i32>} : memref<128x4096xf32, #tpu.memory_space<vmem>>, vector<128x4096xf32>,
    %get3A_775 = arith.constant 0 : index
    %get3A_776 = arith.constant 0 : index
    %get3A_777 = vector.load %arg9[%get3A_775, %get3A_776] : memref<128x4096xi32, #tpu.memory_space<vmem>>, vector<128x4096xi32>
    %jit3A_778 = arith.constant 21 : i32
    %broadcast_in_dim3A_779 = vector.broadcast %jit3A_778 : i32 to vector<128x4096xi32>
    %select_n3A_780 = arith.select %gt3A_767, %broadcast_in_dim3A_779, %get3A_777 : vector<128x4096xi1>, vector<128x4096xi32>
    %swap3A_781 = arith.constant 0 : index
    %swap3A_782 = arith.constant 0 : index
    %swap3A_783 = vector.load %arg9[%swap3A_781, %swap3A_782] : memref<128x4096xi32, #tpu.memory_space<vmem>>, vector<128x4096xi32>
    tpu.vector_store %arg9[%swap3A_781, %swap3A_782], %select_n3A_780 {strides = array<i32>} : memref<128x4096xi32, #tpu.memory_space<vmem>>, vector<128x4096xi32>,
    %dma_wait3A_784 = arith.constant 2 : i32
    %dma_wait3A_785 = tpu.memref_slice %arg10[%dma_wait3A_784] : memref<4x!tpu.dma_semaphore, #tpu.memory_space<semaphore_mem>> -> memref<1x!tpu.dma_semaphore, #tpu.memory_space<semaphore_mem>>
    %dma_wait3A_786 = tpu.memref_squeeze %dma_wait3A_785 : memref<1x!tpu.dma_semaphore, #tpu.memory_space<semaphore_mem>> -> memref<!tpu.dma_semaphore, #tpu.memory_space<semaphore_mem>>
    %dma_wait3A_787 = arith.constant 0 : i32
    %dma_wait3A_788 = arith.constant 90112 : i32
    %dma_wait3A_789 = tpu.memref_slice %arg1[%dma_wait3A_787, %dma_wait3A_788] : memref<128x100000xf32, #tpu.memory_space<any>> -> memref<128x4096xf32, #tpu.memory_space<any>>
    tpu.wait_dma2 semaphore(%dma_wait3A_786 : memref<!tpu.dma_semaphore, #tpu.memory_space<semaphore_mem>>) src(%dma_wait3A_789 : memref<128x4096xf32, #tpu.memory_space<any>>) dst(%arg6 : memref<128x4096xf32, #tpu.memory_space<vmem>>)
    %get3A_790 = arith.constant 0 : index
    %get3A_791 = arith.constant 0 : index
    %get3A_792 = vector.load %arg6[%get3A_790, %get3A_791] : memref<128x4096xf32, #tpu.memory_space<vmem>>, vector<128x4096xf32>
    %get3A_793 = arith.constant 0 : index
    %get3A_794 = arith.constant 0 : index
    %get3A_795 = vector.load %arg8[%get3A_793, %get3A_794] : memref<128x4096xf32, #tpu.memory_space<vmem>>, vector<128x4096xf32>
    %gt3A_796 = arith.cmpf ogt, %get3A_792, %get3A_795 : vector<128x4096xf32>
    %get3A_797 = arith.constant 0 : index
    %get3A_798 = arith.constant 0 : index
    %get3A_799 = vector.load %arg8[%get3A_797, %get3A_798] : memref<128x4096xf32, #tpu.memory_space<vmem>>, vector<128x4096xf32>
    %select_n3A_800 = arith.select %gt3A_796, %get3A_792, %get3A_799 : vector<128x4096xi1>, vector<128x4096xf32>
    %swap3A_801 = arith.constant 0 : index
    %swap3A_802 = arith.constant 0 : index
    %swap3A_803 = vector.load %arg8[%swap3A_801, %swap3A_802] : memref<128x4096xf32, #tpu.memory_space<vmem>>, vector<128x4096xf32>
    tpu.vector_store %arg8[%swap3A_801, %swap3A_802], %select_n3A_800 {strides = array<i32>} : memref<128x4096xf32, #tpu.memory_space<vmem>>, vector<128x4096xf32>,
    %get3A_804 = arith.constant 0 : index
    %get3A_805 = arith.constant 0 : index
    %get3A_806 = vector.load %arg9[%get3A_804, %get3A_805] : memref<128x4096xi32, #tpu.memory_space<vmem>>, vector<128x4096xi32>
    %jit3A_807 = arith.constant 22 : i32
    %broadcast_in_dim3A_808 = vector.broadcast %jit3A_807 : i32 to vector<128x4096xi32>
    %select_n3A_809 = arith.select %gt3A_796, %broadcast_in_dim3A_808, %get3A_806 : vector<128x4096xi1>, vector<128x4096xi32>
    %swap3A_810 = arith.constant 0 : index
    %swap3A_811 = arith.constant 0 : index
    %swap3A_812 = vector.load %arg9[%swap3A_810, %swap3A_811] : memref<128x4096xi32, #tpu.memory_space<vmem>>, vector<128x4096xi32>
    tpu.vector_store %arg9[%swap3A_810, %swap3A_811], %select_n3A_809 {strides = array<i32>} : memref<128x4096xi32, #tpu.memory_space<vmem>>, vector<128x4096xi32>,
    %dma_wait3A_813 = arith.constant 3 : i32
    %dma_wait3A_814 = tpu.memref_slice %arg10[%dma_wait3A_813] : memref<4x!tpu.dma_semaphore, #tpu.memory_space<semaphore_mem>> -> memref<1x!tpu.dma_semaphore, #tpu.memory_space<semaphore_mem>>
    %dma_wait3A_815 = tpu.memref_squeeze %dma_wait3A_814 : memref<1x!tpu.dma_semaphore, #tpu.memory_space<semaphore_mem>> -> memref<!tpu.dma_semaphore, #tpu.memory_space<semaphore_mem>>
    %dma_wait3A_816 = arith.constant 0 : i32
    %dma_wait3A_817 = arith.constant 94208 : i32
    %dma_wait3A_818 = tpu.memref_slice %arg1[%dma_wait3A_816, %dma_wait3A_817] : memref<128x100000xf32, #tpu.memory_space<any>> -> memref<128x4096xf32, #tpu.memory_space<any>>
    tpu.wait_dma2 semaphore(%dma_wait3A_815 : memref<!tpu.dma_semaphore, #tpu.memory_space<semaphore_mem>>) src(%dma_wait3A_818 : memref<128x4096xf32, #tpu.memory_space<any>>) dst(%arg7 : memref<128x4096xf32, #tpu.memory_space<vmem>>)
    %get3A_819 = arith.constant 0 : index
    %get3A_820 = arith.constant 0 : index
    %get3A_821 = vector.load %arg7[%get3A_819, %get3A_820] : memref<128x4096xf32, #tpu.memory_space<vmem>>, vector<128x4096xf32>
    %get3A_822 = arith.constant 0 : index
    %get3A_823 = arith.constant 0 : index
    %get3A_824 = vector.load %arg8[%get3A_822, %get3A_823] : memref<128x4096xf32, #tpu.memory_space<vmem>>, vector<128x4096xf32>
    %gt3A_825 = arith.cmpf ogt, %get3A_821, %get3A_824 : vector<128x4096xf32>
    %get3A_826 = arith.constant 0 : index
    %get3A_827 = arith.constant 0 : index
    %get3A_828 = vector.load %arg8[%get3A_826, %get3A_827] : memref<128x4096xf32, #tpu.memory_space<vmem>>, vector<128x4096xf32>
    %select_n3A_829 = arith.select %gt3A_825, %get3A_821, %get3A_828 : vector<128x4096xi1>, vector<128x4096xf32>
    %swap3A_830 = arith.constant 0 : index
    %swap3A_831 = arith.constant 0 : index
    %swap3A_832 = vector.load %arg8[%swap3A_830, %swap3A_831] : memref<128x4096xf32, #tpu.memory_space<vmem>>, vector<128x4096xf32>
    tpu.vector_store %arg8[%swap3A_830, %swap3A_831], %select_n3A_829 {strides = array<i32>} : memref<128x4096xf32, #tpu.memory_space<vmem>>, vector<128x4096xf32>,
    %get3A_833 = arith.constant 0 : index
    %get3A_834 = arith.constant 0 : index
    %get3A_835 = vector.load %arg9[%get3A_833, %get3A_834] : memref<128x4096xi32, #tpu.memory_space<vmem>>, vector<128x4096xi32>
    %jit3A_836 = arith.constant 23 : i32
    %broadcast_in_dim3A_837 = vector.broadcast %jit3A_836 : i32 to vector<128x4096xi32>
    %select_n3A_838 = arith.select %gt3A_825, %broadcast_in_dim3A_837, %get3A_835 : vector<128x4096xi1>, vector<128x4096xi32>
    %swap3A_839 = arith.constant 0 : index
    %swap3A_840 = arith.constant 0 : index
    %swap3A_841 = vector.load %arg9[%swap3A_839, %swap3A_840] : memref<128x4096xi32, #tpu.memory_space<vmem>>, vector<128x4096xi32>
    tpu.vector_store %arg9[%swap3A_839, %swap3A_840], %select_n3A_838 {strides = array<i32>} : memref<128x4096xi32, #tpu.memory_space<vmem>>, vector<128x4096xi32>,
    %get3A_842 = arith.constant 0 : index
    %get3A_843 = arith.constant 0 : index
    %get3A_844 = vector.load %arg8[%get3A_842, %get3A_843] : memref<128x4096xf32, #tpu.memory_space<vmem>>, vector<128x4096xf32>
    %iota3A = tpu.iota {dimensions = array<i32: 1>} : vector<128x4096xi32>
    %reduce_max3A = arith.constant dense<0xFF800000> : vector<128xf32>
    %reduce_max3A_845 = vector.multi_reduction <maximumf>, %get3A_844, %reduce_max3A [1] : vector<128x4096xf32> to vector<128xf32>
    %broadcast_in_dim3A_846 = vector.shape_cast %reduce_max3A_845 : vector<128xf32> to vector<128x1xf32>
    %eq3A = vector.broadcast %broadcast_in_dim3A_846 : vector<128x1xf32> to vector<128x4096xf32>
    %eq3A_847 = arith.cmpf oeq, %get3A_844, %eq3A : vector<128x4096xf32>
    %get3A_848 = arith.constant 0 : index
    %get3A_849 = arith.constant 0 : index
    %get3A_850 = vector.load %arg9[%get3A_848, %get3A_849] : memref<128x4096xi32, #tpu.memory_space<vmem>>, vector<128x4096xi32>
    %mul3A = arith.constant 4096 : i32
    %mul3A_851 = vector.broadcast %mul3A : i32 to vector<128x4096xi32>
    %mul3A_852 = arith.muli %get3A_850, %mul3A_851 : vector<128x4096xi32>
    %add3A = arith.addi %mul3A_852, %iota3A : vector<128x4096xi32>
    %jit3A_853 = arith.constant 2147483647 : i32
    %broadcast_in_dim3A_854 = vector.broadcast %jit3A_853 : i32 to vector<128x4096xi32>
    %select_n3A_855 = arith.select %eq3A_847, %add3A, %broadcast_in_dim3A_854 : vector<128x4096xi1>, vector<128x4096xi32>
    %reduce_min3A = arith.constant dense<2147483647> : vector<128xi32>
    %reduce_min3A_856 = vector.multi_reduction <minsi>, %select_n3A_855, %reduce_min3A [1] : vector<128x4096xi32> to vector<128xi32>
    %broadcast_in_dim3A_857 = vector.shape_cast %reduce_min3A_856 : vector<128xi32> to vector<128x1xi32>
    %iota3A_858 = tpu.iota {dimensions = array<i32: 1>} : vector<128x2048xi32>
    %lt3A = arith.constant 1696 : i32
    %lt3A_859 = vector.broadcast %lt3A : i32 to vector<128x2048xi32>
    %lt3A_860 = arith.cmpi slt, %iota3A_858, %lt3A_859 : vector<128x2048xi32>
    %get3A_861 = arith.constant 0 : index
    %get3A_862 = arith.constant 0 : index
    %get3A_863 = vector.load %arg2[%get3A_861, %get3A_862] : memref<128x2048xf32, #tpu.memory_space<vmem>>, vector<128x2048xf32>
    %jit3A_864 = arith.constant 0xFF800000 : f32
    %broadcast_in_dim3A_865 = vector.broadcast %jit3A_864 : f32 to vector<128x2048xf32>
    %select_n3A_866 = arith.select %lt3A_860, %get3A_863, %broadcast_in_dim3A_865 : vector<128x2048xi1>, vector<128x2048xf32>
    %reduce_max3A_867 = arith.constant dense<0xFF800000> : vector<128xf32>
    %reduce_max3A_868 = vector.multi_reduction <maximumf>, %select_n3A_866, %reduce_max3A_867 [1] : vector<128x2048xf32> to vector<128xf32>
    %broadcast_in_dim3A_869 = vector.shape_cast %reduce_max3A_868 : vector<128xf32> to vector<128x1xf32>
    %eq3A_870 = vector.broadcast %broadcast_in_dim3A_869 : vector<128x1xf32> to vector<128x2048xf32>
    %eq3A_871 = arith.cmpf oeq, %select_n3A_866, %eq3A_870 : vector<128x2048xf32>
    %add3A_872 = arith.constant 98304 : i32
    %add3A_873 = vector.broadcast %add3A_872 : i32 to vector<128x2048xi32>
    %add3A_874 = arith.addi %iota3A_858, %add3A_873 : vector<128x2048xi32>
    %jit3A_875 = arith.constant 2147483647 : i32
    %broadcast_in_dim3A_876 = vector.broadcast %jit3A_875 : i32 to vector<128x2048xi32>
    %select_n3A_877 = arith.select %eq3A_871, %add3A_874, %broadcast_in_dim3A_876 : vector<128x2048xi1>, vector<128x2048xi32>
    %reduce_min3A_878 = arith.constant dense<2147483647> : vector<128xi32>
    %reduce_min3A_879 = vector.multi_reduction <minsi>, %select_n3A_877, %reduce_min3A_878 [1] : vector<128x2048xi32> to vector<128xi32>
    %broadcast_in_dim3A_880 = vector.shape_cast %reduce_min3A_879 : vector<128xi32> to vector<128x1xi32>
    %gt3A_881 = arith.cmpf ogt, %broadcast_in_dim3A_869, %broadcast_in_dim3A_846 : vector<128x1xf32>
    %select_n3A_882 = arith.select %gt3A_881, %broadcast_in_dim3A_880, %broadcast_in_dim3A_857 : vector<128x1xi1>, vector<128x1xi32>
    %swap3A_883 = arith.constant 0 : index
    %swap3A_884 = arith.constant 0 : index
    %swap3A_885 = vector.load %arg3[%swap3A_883, %swap3A_884] : memref<128x1xi32, #tpu.memory_space<vmem>>, vector<128x1xi32>
    tpu.vector_store %arg3[%swap3A_883, %swap3A_884], %select_n3A_882 {strides = array<i32>} : memref<128x1xi32, #tpu.memory_space<vmem>>, vector<128x1xi32>,
    return
  }
  func.func @transform_1(%arg0: i32) -> (i32, i32) {
    %c0_i32 = arith.constant 0 : i32
    %c48_i32 = arith.constant 48 : i32
    %c0_i32_0 = arith.constant 0 : i32
    return %c0_i32, %c48_i32 : i32, i32
  }
  func.func @transform_2(%arg0: i32) -> (i32, i32) {
    %c0_i32 = arith.constant 0 : i32
    %c0_i32_0 = arith.constant 0 : i32
    %c0_i32_1 = arith.constant 0 : i32
    return %c0_i32, %c0_i32_0 : i32, i32
  }
}

</mosaic_0001>

<sc_bundles>
// kernel: kernel.4.cloned.1.call-start
scs
__scs_entry_jumppad:
0x0: {  	(pc) =	sbr.rel $0x88, $3  }
0x1: {  	(tag) =	ssettag $0x0;
	lr =	simm.s32 $0x1  }
0x2: {  	[smem:$0x3FA0] =	sst lr;
	_ =	strace $0xD0000000  }
0x3: {  	_ = 	snop  }
0x4: {  	_ = 	snop  }
0x5: {  	_ = 	snop  }
0x6: {  	_ = 	snop  }
0x7: {  	_ = 	snop  }
__scs_overlays_trampoline_lowered:
0x8: {  	[smem:$0x3FAF] =	sst s0  }
0x9: {  	[smem:$0x3FB0] =	sst s1  }
0xa: {  	[smem:$0x3FB1] =	sst s2  }
0xb: {  	[smem:$0x3FB2] =	sst s3  }
0xc: {  	[smem:$0x3FB3] =	sst s4  }
0xd: {  	[smem:$0x3FB4] =	sst s5  }
0xe: {  	[smem:$0x3FB5] =	sst s6  }
0xf: {  	[smem:$0x3FB6] =	sst s7  }
0x10: {  	[smem:$0x3FB7] =	sst s8  }
0x11: {  	[smem:$0x3FB8] =	sst s9;
	s0 =	simm.s32 @!p0 $0x0  }
0x12: {  	s1 =	sld [smem:$0x3F9E];
	s0 =	simm.s32 @p0 $0x1  }
0x13: {  	[smem:$0x3FB9] =	sst s0;
	s0 =	simm.s32 @!p1 $0x0  }
0x14: {  	s2 =	sld [smem:$0x3F9D];
	s0 =	simm.s32 @p1 $0x1  }
0x15: {  	[smem:$0x3FBA] =	sst s0;
	s0 =	simm.s32 @!p2 $0x0  }
0x16: {  	s3 =	sld [smem:$0x3FDB];
	s0 =	simm.s32 @p2 $0x1  }
0x17: {  	s4 =	simm.s32 $0x1BF5;
	[smem:$0x3FBC] =	sst s0  }
0x18: {  	s0 =	sld [smem:$0x3F9F];
	_ =	swait.ge [sflag:s4], $0x0  }
0x19: {  	s7 =	sld [smem:$0x3FA0]  }
0x1a: {  	s8 =	sadd.s32 $0xFFFFE003, lr  }
0x1b: {  	s9 =	sadd.s32 $0xFFFFFEF7, lr;
	s5 =	simm.s32 $0xFFFFFFFF;
	p2 =	slt.u32 s8, $0xFFFFF086  }
0x1c: {  	p1 =	slt.u32 s9, $0xF7A;
	s5 =	simm.s32 @!p2 $0x0  }
0x1d: {  	s5 =	simm.s32 @p1 $0x1;
	p0 =	seq.s32 s7, s2  }
0x1e: {  	s7 =	smul.u32 @!p0 $0xF7A, s2;
	p2 =	seq.s32 @!p0 s5, $0x0  }
0x1f: {  	s9 =	smul.u32 $0xF7A, s1;
	s8 =	simm.s32 @!p0 $0x1BF5;
	p2 =	por !p2, p0  }
0x20: {  	[sflag:s8] =	ssyncset.s32 @!p0 $0xFFFFF086;
	s6 =	sadd.s32 @!p0 s3, s7;
	s7 =	simm.s32 @!p0 $0x108  }
0x21: {  	s3 =	sadd.s32 s3, s9;
	s6 =	sadd.s32 @!p0 $0x88, s6;
	s7 =	simm.s32 @p2 $0x1082  }
0x22: {  	[simem:s7], [sflag:s8] =	dma.local @!p0 [hbm:s6], $0xF7A  }
0x23: {  	s9 =	sor.u32 $0xD0000000, s2;
	s6 =	simm.s32 $0x108;
	_ =	swait.ge @!p0 [sflag:s8], $0x0  }
0x24: {  	s3 =	sadd.s32 $0x88, s3;
	s6 =	simm.s32 @!p1 $0x1082;
	[sflag:s4] =	ssyncset.s32 $0xFFFFF086  }
0x25: {  	[simem:s6], [sflag:s4] =	dma.local [hbm:s3], $0xF7A  }
0x26: {  	[smem:$0x3FA0] =	sst s1;
	(tag) =	ssettag s2;
	_ =	strace s9  }
0x27: {  	s1 =	sld [smem:$0x3FB0]  }
0x28: {  	s2 =	sld [smem:$0x3FB1]  }
0x29: {  	s4 =	sld [smem:$0x3FB3]  }
0x2a: {  	p0 =	seq.s32 s5, $0x0;
	s5 =	sld [smem:$0x3FB4]  }
0x2b: {  	s6 =	sld [smem:$0x3FB5]  }
0x2c: {  	s7 =	sld [smem:$0x3FB6]  }
0x2d: {  	s3 =	simm.s32 $0x108;
	s8 =	sld [smem:$0x3FB7]  }
0x2e: {  	s3 =	simm.s32 @!p0 $0x1082;
	s9 =	sld [smem:$0x3FB8]  }
0x2f: {  	lr =	sadd.s32 s0, s3;
	s0 =	sld [smem:$0x3FAF]  }
0x30: {  	s3 =	sld [smem:$0x3FB2]  }
0x31: {  	[smem:$0x3FBB] =	sst s10  }
0x32: {  	s10 =	sld [smem:$0x3FB9];
	_ =	sdelay $0x3  }
0x33: {  	p0 =	seq.s32 s10, $0x1;
	s10 =	sld [smem:$0x3FBB];
	_ =	sdelay $0x3  }
0x34: {  	[smem:$0x3FBB] =	sst s10  }
0x35: {  	s10 =	sld [smem:$0x3FBA];
	_ =	sdelay $0x3  }
0x36: {  	p1 =	seq.s32 s10, $0x1;
	s10 =	sld [smem:$0x3FBB];
	_ =	sdelay $0x3  }
0x37: {  	[smem:$0x3FBB] =	sst s10  }
0x38: {  	s10 =	sld [smem:$0x3FBC]  }
0x39: {  	_ = 	snop;
	(pc) =	sbr.ind lr, $3  }
0x3a: {  	_ = 	snop  }
0x3b: {  	_ = 	snop  }
0x3c: {  	p2 =	seq.s32 s10, $0x1;
	s10 =	sld [smem:$0x3FBB]  }
0x3d: {  	_ =	shalt  }
0x3e: {  	_ =	shalt  }
0x3f: {  	_ =	shalt  }
0x40: {  	_ =	shalt  }
0x41: {  	_ =	shalt  }
0x42: {  	_ =	shalt  }
0x43: {  	_ =	shalt  }
0x44: {  	_ =	shalt  }
0x45: {  	_ =	shalt  }
0x46: {  	_ =	shalt  }
0x47: {  	_ =	shalt  }
0x48: {  	_ =	shalt  }
0x49: {  	_ =	shalt  }
0x4a: {  	_ =	shalt  }
0x4b: {  	_ =	shalt  }
0x4c: {  	_ =	shalt  }
0x4d: {  	_ =	shalt  }
0x4e: {  	_ =	shalt  }
0x4f: {  	_ =	shalt  }
0x50: {  	_ =	shalt  }
0x51: {  	_ =	shalt  }
0x52: {  	_ =	shalt  }
0x53: {  	_ =	shalt  }
0x54: {  	_ =	shalt  }
0x55: {  	_ =	shalt  }
0x56: {  	_ =	shalt  }
0x57: {  	_ =	shalt  }
0x58: {  	_ =	shalt  }
0x59: {  	_ =	shalt  }
0x5a: {  	_ =	shalt  }
0x5b: {  	_ =	shalt  }
0x5c: {  	_ =	shalt  }
0x5d: {  	_ =	shalt  }
0x5e: {  	_ =	shalt  }
0x5f: {  	_ =	shalt  }
0x60: {  	_ =	shalt  }
0x61: {  	_ =	shalt  }
0x62: {  	_ =	shalt  }
0x63: {  	_ =	shalt  }
0x64: {  	_ =	shalt  }
0x65: {  	_ =	shalt  }
0x66: {  	_ =	shalt  }
0x67: {  	_ =	shalt  }
0x68: {  	_ =	shalt  }
0x69: {  	_ =	shalt  }
0x6a: {  	_ =	shalt  }
0x6b: {  	_ =	shalt  }
0x6c: {  	_ =	shalt  }
0x6d: {  	_ =	shalt  }
0x6e: {  	_ =	shalt  }
0x6f: {  	_ =	shalt  }
0x70: {  	_ =	shalt  }
0x71: {  	_ =	shalt  }
0x72: {  	_ =	shalt  }
0x73: {  	_ =	shalt  }
0x74: {  	_ =	shalt  }
0x75: {  	_ =	shalt  }
0x76: {  	_ =	shalt  }
0x77: {  	_ =	shalt  }
0x78: {  	_ =	shalt  }
0x79: {  	_ =	shalt  }
0x7a: {  	_ =	shalt  }
0x7b: {  	_ =	shalt  }
0x7c: {  	_ =	shalt  }
0x7d: {  	_ =	shalt  }
0x7e: {  	_ =	shalt  }
0x7f: {  	_ =	shalt  }
0x80: {  	_ =	shalt  }
0x81: {  	_ =	shalt  }
0x82: {  	_ =	shalt  }
0x83: {  	_ =	shalt  }
0x84: {  	_ =	shalt  }
0x85: {  	_ =	shalt  }
0x86: {  	_ =	shalt  }
0x87: {  	_ =	shalt  }
.Lfunc_end0:
.L_simem_size_0:
called_computation.1_lowered:
.L_overlay_start_0:
0x88: {  	s2 =	sld [smem:$0x3FD9]  }
0x89: {  	s3 =	sld [smem:$0x3FFE];
	_ =	sdelay $0x1  }
0x8a: {  	s1 =	srdreg.scid  }
0x8b: {  	s0 =	sand.u32 $0x1, s1  }
0x8c: {  	s17 =	sshll.u32 s0, $0xA;
	s2 =	sadd.s32 s3, s2  }
0x8d: {  	s2 =	sadd.s32 s2, s17  }
0x8e: {  	[smem:$0x3FC7] =	sst s2  }
0x8f: {  	_ = 	snop  }
0x90: {  	s2 =	sld [smem:$0x3FD0];
	(tm) =	ssettm $0x1  }
0x91: {  	s18 =	sld [smem:$0x3FFB];
	_ =	sdelay $0x3  }
0x92: {  	_ =	strace s18  }
0x93: {  	s3 =	sld [smem:$0x3FFC];
	_ =	sdelay $0x3  }
0x94: {  	_ =	strace s3  }
0x95: {  	s3 =	sld [smem:$0x3FFD];
	_ =	sdelay $0x3  }
0x96: {  	_ =	strace s3  }
0x97: {  	_ =	strace $0x8FFFFFFF  }
0x98: {  	s19 =	sld [smem:$0x3FDB];
	_ =	sdelay $0x1  }
0x99: {  	s4 =	simm.s32 $_scs_section_size  }
0x9a: {  	s5 =	simm.s32 $_size__tile_overlayer_lowered;
	s6 =	simm.s32 $_tile_overlayer_lowered  }
0x9b: {  	s22 =	simm.s32 $0x1BFF;
	s21 =	sshll.u32 s6, $0x1;
	s3 =	sadd.s32 s4, s19  }
0x9c: {  	s7 =	simm.s32 $0x0;
	s20 =	sshll.u32 s5, $0x1;
	s5 =	sadd.s32 s21, s3  }
0x9d: {  	[timem:s7], [sflag:s22] =	dma.local [hbm:s5], s20  }
0x9e: {  	_ =	swait.ge [sflag:s22], s20  }
0x9f: {  	s4 =	ssub.s32 $0x0, s20;
	[sflag:s22] =	ssyncset.done $0x0  }
0xa0: {  	[sflag:s22] =	ssyncadd.s32 s4;
	_ =	sdelay $0x1  }
0xa1: {  	s23 =	simm.s32 $0x1B8B  }
0xa2: {  	_ =	swait.ge [sflag:s23], $0x1  }
0xa3: {  	[sflag:s23] =	ssyncset.done $0x0  }
0xa4: {  	s25 =	simm.s32 $0x1B8E;
	s24 =	sld [smem:$0x3FFE];
	[sflag:s23] =	ssyncadd.s32 $0xFFFFFFFF  }
0xa5: {  	s26 =	simm.s32 $execute0_lowered;
	[smem:$0x3FD2] =	sst s25  }
0xa6: {  	s5 =	sshll.u32 s26, $0x1;
	_ =	strace $0x80000046;
	[dreg:$0x1] =	wrdreg $0xFFFFFFFF  }
0xa7: {  	s28 =	simm.s32 $_size_execute0_lowered;
	s3 =	sadd.s32 s3, s5;
	[dreg:$0x0] =	wrdreg $0x0  }
0xa8: {  	s5 =	sshll.u32 s28, $0x1;
	[dreg:$0x2] =	wrdreg s3  }
0xa9: {  	[dreg:$0x3] =	wrdreg s5  }
0xaa: {  	[dreg:$0x4] =	wrdreg $0xC0  }
0xab: {  	_ =	task [dreg:s7], $0x5FFFF  }
0xac: {  	[dreg:$0x1] =	wrdreg $0xFFFFFFFF  }
0xad: {  	[dreg:$0x0] =	wrdreg $0x60  }
0xae: {  	[dreg:$0x2] =	wrdreg s2  }
0xaf: {  	[dreg:$0x3] =	wrdreg s24  }
0xb0: {  	[dreg:$0x4] =	wrdreg $0x9  }
0xb1: {  	_ =	task.clear_ibuf [dreg:s7], $0x5FFFF;
	_ =	strace $0x90000046  }
0xb2: {  	s29 =	simm.s32 $0x9;
	_ =	strace $0x80000048  }
0xb3: {  	_ =	swait.ge [sflag:s29], $0x1  }
0xb4: {  	[sflag:s29] =	ssyncadd.s32 $0xFFFFFFFF  }
0xb5: {  	_ =	strace $0x90000048  }
0xb6: {  	_ =	sfence  }
0xb7: {  	s30 =	sld [smem:$0x0];
	_ =	sdelay $0x2  }
0xb8: {  	s31 =	sshll.u32 s1, $0xD;
	s1 =	sshrl.u32 s1, $0x2  }
0xb9: {  	s3 =	sand.u32 $0x4000, s31;
	s1 =	sadd.s32 s1, s30  }
0xba: {  	s0 =	sor.u32 s3, s0;
	s1 =	sshll.u32 s1, $0x11  }
0xbb: {  	s0 =	sor.u32 s1, s0  }
0xbc: {  	s0 =	sadd.s32 $0x8F2B, s0  }
0xbd: {  	[sflag:s0] =	ssyncadd.remote.s32 $0x1  }
0xbe: {  	_ =	sfence.sel $0xFFFF  }
0xbf: {  	[dreg:$0x0] =	wrdreg $0xFFFFFFFF;
	(pc) =	sbr.abs _section_cstart, $3  }
0xc0: {  	[dreg:$0x1] =	wrdreg $0xFFFFFFFF  }
0xc1: {  	_ =	task.clear_ibuf [dreg:s7], $0x2FFFF;
	_ =	strace $0x9FFFFFFF  }
0xc2: {  	(tm) =	ssettm $0x7FFFFFFF  }
0xc3: {  	_ =	shalt  }
tec
execute0_lowered:
.L_overlay_start_1:
0x0: {  	(tag) =	ssettag $0x1  }
0x1: {  	s0 =	srdreg.scid;
	s31 =	rddreg [dreg:$0x0]  }
0x2: {  	s8 =	stileid.u32;
	s2 =	rddreg [dreg:$0x1]  }
0x3: {  	s3 =	simm.s32 $0x0;
	s0 =	sand.u32 $0x1, s0;
	s1 =	sshll.u32 s8, $0x1  }
0x4: {  	[smem:$0x7FF] =	sst s3;
	s4 =	sadd.s32 $0x400, s2;
	s1 =	sor.u32 s0, s1  }
0x5: {  	s7 =	sshll.u32 s8, $0x3;
	s8 =	sand.u32 $0xE, s8;
	s5 =	smul.u32 $0x30D400, s1  }
0x6: {  	s0 =	ssub.s32 $0x2, s0;
	_ =	strace $0x80000047;
	s24 =	smul.u32 $0x61A80, s1  }
0x7: {  	s31 =	sadd.s32 s31, s8;
	s6 =	sshrl.u32 s0, $0x1;
	s1 =	sshll.u32 s1, $0x2  }
0x8: {  	s0 =	ssub.s32 s0, s6;
	s5 =	sshrl.u32 s5, $0x3;
	s2 =	sadd.s32 s4, s24  }
0x9: {  	s5 =	sadd.s32 s4, s5;
	[dreg:$0x3] =	wrdreg s2;
	s2 =	sand.u32 $0x70, s7  }
0xa: {  	s25 =	sadd.s32 $0x3E80, s5;
	s26 =	sadd.s32 $0x7D00, s5;
	s6 =	sadd.s32 $0xBB80, s5  }
0xb: {  	s9 =	sadd.s32 $0xFA00, s5;
	s10 =	sadd.s32 $0x13880, s5;
	s11 =	sadd.s32 $0x17700, s5  }
0xc: {  	s12 =	sadd.s32 $0x1B580, s5;
	s13 =	sadd.s32 $0x1F400, s5;
	s14 =	sadd.s32 $0x23280, s5  }
0xd: {  	s15 =	sadd.s32 $0x27100, s5;
	s16 =	sadd.s32 $0x2AF80, s5;
	s17 =	sadd.s32 $0x2EE00, s5  }
0xe: {  	s18 =	sadd.s32 $0x32C80, s5;
	s19 =	sadd.s32 $0x36B00, s5;
	s20 =	sadd.s32 $0x3A980, s5  }
0xf: {  	s21 =	sadd.s32 $0x3E800, s5;
	s1 =	ssub.s32 s1, s2;
	s22 =	sadd.s32 $0x42680, s5  }
0x10: {  	v0 =	vmov s2;
	s23 =	sadd.s32 $0x46500, s5;
	s24 =	sadd.s32 $0x4A380, s5;
	s28 =	sadd.s32 $0x55F00, s5  }
0x11: {  	[dreg:$0x6] =	wrdreg s6;
	v1 =	vmul.u32 $0x186A0, v0;
	v0 =	vlaneseq.u32;
	s2 =	sor.u32 $0x1, s1;
	s6 =	sor.u32 $0x2, s1;
	v3 =	vmov s1  }
0x12: {  	s29 =	sadd.s32 $0x59D80, s5;
	[dreg:$0x4] =	wrdreg s25;
	s7 =	sor.u32 $0x3, s1;
	v2 =	vmul.u32 $0x186A0, v0;
	v4 =	vmov s2;
	v5 =	vmov s6  }
0x13: {  	s30 =	sadd.s32 $0x5DC00, s5;
	[dreg:$0x5] =	wrdreg s26;
	s25 =	sadd.s32 $0x4E200, s5;
	v6 =	vmov s7;
	vm3 =	veq.s32 v3, v0;
	v1 =	vbroadcast v1, $0x0  }
0x14: {  	s26 =	sadd.s32 $0x52080, s5;
	s1 =	smax.u32 s0, $0x1;
	s0 =	simm.s32 $0x1;
	v3 =	vimm.s32 $0x0;
	vm0 =	veq.s32 v6, v0;
	vm1 =	veq.s32 v5, v0  }
0x15: {  	s5 =	simm.s32 $0x1F400;
	s2 =	simm.s32 $0x2;
	s6 =	simm.s32 $0x0;
	vm2 =	veq.s32 v4, v0;
	v1 =	vadd.s32 v2, v1;
	v2 =	vimm.f32 $0.0e+00  }
.LBB2_1:
0x16: {  	s7 =	simm.s32 $0x200;
	s8 =	simm.s32 $0x0  }
.LBB2_2:
0x17: {  	p0 =	sne.s32 s7, $0x7CE00;
	[tilespmem:s8+$0x0] =	vst v2;
	s8 =	smov.u32 s7;
	s7 =	sadd.s32 $0x200, s7  }
.Ltmp0:
0x18: {  	(pc) =	sbr.rel @p0 .LBB2_2-.Ltmp0, $2  }
0x19: {  	_ =	sdelay $0x2  }
0x1a: {  	s8 =	sshra.s32 s8, $0x2  }
0x1b: {  	[tilespmem:s8+$0x0] =	vst v2;
	s7 =	rddreg [dreg:$0x0];
	s8 =	simm.s32 $0x1F480  }
0x1c: {  	[tilespmem:s8], [sflag:$0x2] =	stream.linear.gather [hbm4b:s7+s3], $0x80, $0x38;
	[tilespmem:$0x1F580] =	vst v63  }
0x1d: {  	_ =	swait.ge [sflag:s2], $0x80  }
0x1e: {  	[sflag:s2] =	ssyncset.done $0x0  }
0x1f: {  	s8 =	rddreg [dreg:$0x3];
	[sflag:s2] =	ssyncadd.s32 $0xFFFFFF80  }
0x20: {  	[hbm4b:s8+s3] =	stream.linear.scatter [tilespmem:s3], [sflag:$0x1], $0x1F400, $0x38;
	[tilespmem:$0x1F580] =	vst v63  }
0x21: {  	s8 =	rddreg [dreg:$0x4]  }
0x22: {  	[hbm4b:s8+s3] =	stream.linear.scatter [tilespmem:s3], [sflag:$0x1], $0x1F400, $0x38;
	[tilespmem:$0x1F580] =	vst v63  }
0x23: {  	s8 =	rddreg [dreg:$0x5]  }
0x24: {  	[hbm4b:s8+s3] =	stream.linear.scatter [tilespmem:s3], [sflag:$0x1], $0x1F400, $0x38;
	[tilespmem:$0x1F580] =	vst v63  }
0x25: {  	s8 =	rddreg [dreg:$0x6]  }
0x26: {  	[hbm4b:s8+s3] =	stream.linear.scatter [tilespmem:s3], [sflag:$0x1], $0x1F400, $0x38;
	[tilespmem:$0x1F580] =	vst v63  }
0x27: {  	_ = 	snop  }
0x28: {  	[hbm4b:s9+s3] =	stream.linear.scatter [tilespmem:s3], [sflag:$0x1], $0x1F400, $0x38;
	[tilespmem:$0x1F580] =	vst v63  }
0x29: {  	_ = 	snop  }
0x2a: {  	[hbm4b:s10+s3] =	stream.linear.scatter [tilespmem:s3], [sflag:$0x1], $0x1F400, $0x38;
	[tilespmem:$0x1F580] =	vst v63  }
0x2b: {  	_ = 	snop  }
0x2c: {  	[hbm4b:s11+s3] =	stream.linear.scatter [tilespmem:s3], [sflag:$0x1], $0x1F400, $0x38;
	[tilespmem:$0x1F580] =	vst v63  }
0x2d: {  	_ = 	snop  }
0x2e: {  	[hbm4b:s12+s3] =	stream.linear.scatter [tilespmem:s3], [sflag:$0x1], $0x1F400, $0x38;
	[tilespmem:$0x1F580] =	vst v63  }
0x2f: {  	_ = 	snop  }
0x30: {  	[hbm4b:s13+s3] =	stream.linear.scatter [tilespmem:s3], [sflag:$0x1], $0x1F400, $0x38;
	[tilespmem:$0x1F580] =	vst v63  }
0x31: {  	_ = 	snop  }
0x32: {  	[hbm4b:s14+s3] =	stream.linear.scatter [tilespmem:s3], [sflag:$0x1], $0x1F400, $0x38;
	[tilespmem:$0x1F580] =	vst v63  }
0x33: {  	_ = 	snop  }
0x34: {  	[hbm4b:s15+s3] =	stream.linear.scatter [tilespmem:s3], [sflag:$0x1], $0x1F400, $0x38;
	[tilespmem:$0x1F580] =	vst v63  }
0x35: {  	_ = 	snop  }
0x36: {  	[hbm4b:s16+s3] =	stream.linear.scatter [tilespmem:s3], [sflag:$0x1], $0x1F400, $0x38;
	[tilespmem:$0x1F580] =	vst v63  }
0x37: {  	_ = 	snop  }
0x38: {  	[hbm4b:s17+s3] =	stream.linear.scatter [tilespmem:s3], [sflag:$0x1], $0x1F400, $0x38;
	[tilespmem:$0x1F580] =	vst v63  }
0x39: {  	_ = 	snop  }
0x3a: {  	[hbm4b:s18+s3] =	stream.linear.scatter [tilespmem:s3], [sflag:$0x1], $0x1F400, $0x38;
	[tilespmem:$0x1F580] =	vst v63  }
0x3b: {  	_ = 	snop  }
0x3c: {  	[hbm4b:s19+s3] =	stream.linear.scatter [tilespmem:s3], [sflag:$0x1], $0x1F400, $0x38;
	[tilespmem:$0x1F580] =	vst v63  }
0x3d: {  	_ = 	snop  }
0x3e: {  	[hbm4b:s20+s3] =	stream.linear.scatter [tilespmem:s3], [sflag:$0x1], $0x1F400, $0x38;
	[tilespmem:$0x1F580] =	vst v63  }
0x3f: {  	_ = 	snop  }
0x40: {  	[hbm4b:s21+s3] =	stream.linear.scatter [tilespmem:s3], [sflag:$0x1], $0x1F400, $0x38;
	[tilespmem:$0x1F580] =	vst v63  }
0x41: {  	_ = 	snop  }
0x42: {  	[hbm4b:s22+s3] =	stream.linear.scatter [tilespmem:s3], [sflag:$0x1], $0x1F400, $0x38;
	[tilespmem:$0x1F580] =	vst v63  }
0x43: {  	_ = 	snop  }
0x44: {  	[hbm4b:s23+s3] =	stream.linear.scatter [tilespmem:s3], [sflag:$0x1], $0x1F400, $0x38;
	[tilespmem:$0x1F580] =	vst v63  }
0x45: {  	_ = 	snop  }
0x46: {  	[hbm4b:s24+s3] =	stream.linear.scatter [tilespmem:s3], [sflag:$0x1], $0x1F400, $0x38;
	[tilespmem:$0x1F580] =	vst v63  }
0x47: {  	_ = 	snop  }
0x48: {  	[hbm4b:s25+s3] =	stream.linear.scatter [tilespmem:s3], [sflag:$0x1], $0x1F400, $0x38;
	[tilespmem:$0x1F580] =	vst v63  }
0x49: {  	_ = 	snop  }
0x4a: {  	[hbm4b:s26+s3] =	stream.linear.scatter [tilespmem:s3], [sflag:$0x1], $0x1F400, $0x38;
	[tilespmem:$0x1F580] =	vst v63  }
0x4b: {  	_ = 	snop  }
0x4c: {  	[hbm4b:s28+s3] =	stream.linear.scatter [tilespmem:s3], [sflag:$0x1], $0x1F400, $0x38;
	[tilespmem:$0x1F580] =	vst v63  }
0x4d: {  	_ = 	snop  }
0x4e: {  	[hbm4b:s29+s3] =	stream.linear.scatter [tilespmem:s3], [sflag:$0x1], $0x1F400, $0x38;
	[tilespmem:$0x1F580] =	vst v63  }
0x4f: {  	_ = 	snop  }
0x50: {  	[hbm4b:s30+s3] =	stream.linear.scatter [tilespmem:s3], [sflag:$0x1], $0x1F400, $0x38;
	[tilespmem:$0x1F580] =	vst v63  }
0x51: {  	_ =	swait.ge [sflag:s0], $0x1F400  }
0x52: {  	[sflag:s0] =	ssyncset.done $0x0  }
0x53: {  	[sflag:s0] =	ssyncadd.s32 $0xFFFE0C00  }
0x54: {  	_ =	swait.ge [sflag:s0], $0x1F400  }
0x55: {  	[sflag:s0] =	ssyncset.done $0x0  }
0x56: {  	[sflag:s0] =	ssyncadd.s32 $0xFFFE0C00  }
0x57: {  	_ =	swait.ge [sflag:s0], $0x1F400  }
0x58: {  	[sflag:s0] =	ssyncset.done $0x0  }
0x59: {  	[sflag:s0] =	ssyncadd.s32 $0xFFFE0C00  }
0x5a: {  	_ =	swait.ge [sflag:s0], $0x1F400  }
0x5b: {  	[sflag:s0] =	ssyncset.done $0x0  }
0x5c: {  	[sflag:s0] =	ssyncadd.s32 $0xFFFE0C00  }
0x5d: {  	_ =	swait.ge [sflag:s0], $0x1F400  }
0x5e: {  	[sflag:s0] =	ssyncset.done $0x0  }
0x5f: {  	[sflag:s0] =	ssyncadd.s32 $0xFFFE0C00  }
0x60: {  	_ =	swait.ge [sflag:s0], $0x1F400  }
0x61: {  	[sflag:s0] =	ssyncset.done $0x0  }
0x62: {  	[sflag:s0] =	ssyncadd.s32 $0xFFFE0C00  }
0x63: {  	_ =	swait.ge [sflag:s0], $0x1F400  }
0x64: {  	[sflag:s0] =	ssyncset.done $0x0  }
0x65: {  	[sflag:s0] =	ssyncadd.s32 $0xFFFE0C00  }
0x66: {  	_ =	swait.ge [sflag:s0], $0x1F400  }
0x67: {  	[sflag:s0] =	ssyncset.done $0x0  }
0x68: {  	[sflag:s0] =	ssyncadd.s32 $0xFFFE0C00  }
0x69: {  	_ =	swait.ge [sflag:s0], $0x1F400  }
0x6a: {  	[sflag:s0] =	ssyncset.done $0x0  }
0x6b: {  	[sflag:s0] =	ssyncadd.s32 $0xFFFE0C00  }
0x6c: {  	_ =	swait.ge [sflag:s0], $0x1F400  }
0x6d: {  	[sflag:s0] =	ssyncset.done $0x0  }
0x6e: {  	[sflag:s0] =	ssyncadd.s32 $0xFFFE0C00  }
0x6f: {  	_ =	swait.ge [sflag:s0], $0x1F400  }
0x70: {  	[sflag:s0] =	ssyncset.done $0x0  }
0x71: {  	[sflag:s0] =	ssyncadd.s32 $0xFFFE0C00  }
0x72: {  	_ =	swait.ge [sflag:s0], $0x1F400  }
0x73: {  	[sflag:s0] =	ssyncset.done $0x0  }
0x74: {  	[sflag:s0] =	ssyncadd.s32 $0xFFFE0C00  }
0x75: {  	_ =	swait.ge [sflag:s0], $0x1F400  }
0x76: {  	[sflag:s0] =	ssyncset.done $0x0  }
0x77: {  	[sflag:s0] =	ssyncadd.s32 $0xFFFE0C00  }
0x78: {  	_ =	swait.ge [sflag:s0], $0x1F400  }
0x79: {  	[sflag:s0] =	ssyncset.done $0x0  }
0x7a: {  	[sflag:s0] =	ssyncadd.s32 $0xFFFE0C00  }
0x7b: {  	_ =	swait.ge [sflag:s0], $0x1F400  }
0x7c: {  	[sflag:s0] =	ssyncset.done $0x0  }
0x7d: {  	[sflag:s0] =	ssyncadd.s32 $0xFFFE0C00  }
0x7e: {  	_ =	swait.ge [sflag:s0], $0x1F400  }
0x7f: {  	[sflag:s0] =	ssyncset.done $0x0  }
0x80: {  	[sflag:s0] =	ssyncadd.s32 $0xFFFE0C00  }
0x81: {  	_ =	swait.ge [sflag:s0], $0x1F400  }
0x82: {  	[sflag:s0] =	ssyncset.done $0x0  }
0x83: {  	[sflag:s0] =	ssyncadd.s32 $0xFFFE0C00  }
0x84: {  	_ =	swait.ge [sflag:s0], $0x1F400  }
0x85: {  	[sflag:s0] =	ssyncset.done $0x0  }
0x86: {  	[sflag:s0] =	ssyncadd.s32 $0xFFFE0C00  }
0x87: {  	_ =	swait.ge [sflag:s0], $0x1F400  }
0x88: {  	[sflag:s0] =	ssyncset.done $0x0  }
0x89: {  	[sflag:s0] =	ssyncadd.s32 $0xFFFE0C00  }
0x8a: {  	_ =	swait.ge [sflag:s0], $0x1F400  }
0x8b: {  	[sflag:s0] =	ssyncset.done $0x0  }
0x8c: {  	[sflag:s0] =	ssyncadd.s32 $0xFFFE0C00  }
0x8d: {  	_ =	swait.ge [sflag:s0], $0x1F400  }
0x8e: {  	[sflag:s0] =	ssyncset.done $0x0  }
0x8f: {  	[sflag:s0] =	ssyncadd.s32 $0xFFFE0C00  }
0x90: {  	_ =	swait.ge [sflag:s0], $0x1F400  }
0x91: {  	[sflag:s0] =	ssyncset.done $0x0  }
0x92: {  	[sflag:s0] =	ssyncadd.s32 $0xFFFE0C00  }
0x93: {  	_ =	swait.ge [sflag:s0], $0x1F400  }
0x94: {  	[sflag:s0] =	ssyncset.done $0x0  }
0x95: {  	[sflag:s0] =	ssyncadd.s32 $0xFFFE0C00  }
0x96: {  	_ =	swait.ge [sflag:s0], $0x1F400  }
0x97: {  	[sflag:s0] =	ssyncset.done $0x0  }
0x98: {  	[sflag:s0] =	ssyncadd.s32 $0xFFFE0C00  }
0x99: {  	_ =	swait.ge [sflag:s0], $0x1F400  }
0x9a: {  	[sflag:s0] =	ssyncset.done $0x0  }
0x9b: {  	s8 =	simm.s32 $0x1F500;
	[sflag:s0] =	ssyncadd.s32 $0xFFFE0C00  }
0x9c: {  	[tilespmem:s8], [sflag:$0x2] =	stream.linear.gather [hbm4b:s31+s3], $0x10, $0x38;
	[tilespmem:$0x1F580] =	vst v63  }
0x9d: {  	_ =	swait.ge [sflag:s2], $0x10  }
0x9e: {  	[sflag:s2] =	ssyncset.done $0x0  }
0x9f: {  	[sflag:s2] =	ssyncadd.s32 $0xFFFFFFF0  }
0xa0: {  	v4 =	vld [tilespmem:$0x1F500];
	_ =	sdelay $0x4  }
0xa1: {  	v5 =	vadd.s32 v4, v1;
	v4 =	vand.u32 $0xF, v4  }
0xa2: {  	v5 =	vshrl.u32 v5, $0x4;
	v6 =	vnsel vm3, $0x0, v4  }
0xa3: {  	(xrf0) =	vadd.scan.msk.s32 $0xffff, v6;
	v54 =	vnsel vm3, $0x0, v5  }
0xa4: {  	(xrf0) =	vadd.scan.msk.s32 $0xffff, v54;
	_ =	sdelay $0x4  }
0xa5: {  	v55, _, _ =	vpop (xrf0)  }
0xa6: {  	v7, _, _ =	vpop (xrf0)  }
0xa7: {  	(v2sf) =	vpush v7, $0xF;
	_ =	sdelay $0xd  }
0xa8: {  	v6 =	vbroadcast v55, $0xF  }
0xa9: {  	s8 =	spop (v2sf)  }
0xaa: {  	vm4 =	veq.s32 v6, v0;
	s7 =	sshll.u32 s8, $0x4  }
0xab: {  	v6 =	vsel vm4, $0x3F800000, v3;
	s7 =	sand.u32 $0x1FFFFFF0, s7  }
0xac: {  	[tilespmem:$0x1F400] =	vst v6;
	s7 =	sadd.s32 s4, s7  }
0xad: {  	[hbm4b:s7+s3] =	stream.linear.scatter [tilespmem:s5], [sflag:$0x2], $0x80, $0x38;
	[tilespmem:$0x1F580] =	vst v63  }
0xae: {  	v56 =	vnsel vm2, $0x0, v4;
	_ =	swait.ge [sflag:s2], $0x80  }
0xaf: {  	v57 =	vnsel vm2, $0x0, v5;
	(xrf0) =	vadd.scan.msk.s32 $0xffff, v56  }
0xb0: {  	(xrf0) =	vadd.scan.msk.s32 $0xffff, v57;
	_ =	sdelay $0x4  }
0xb1: {  	v58, _, _ =	vpop (xrf0)  }
0xb2: {  	v59, _, _ =	vpop (xrf0)  }
0xb3: {  	(v2sf) =	vpush v59, $0xF;
	_ =	sdelay $0xd  }
0xb4: {  	v6 =	vbroadcast v58, $0xF  }
0xb5: {  	s8 =	spop (v2sf)  }
0xb6: {  	[sflag:s2] =	ssyncset.done $0x0;
	vm4 =	veq.s32 v6, v0;
	s7 =	sshll.u32 s8, $0x4  }
0xb7: {  	[sflag:s2] =	ssyncadd.s32 $0xFFFFFF80;
	v6 =	vsel vm4, $0x3F800000, v3;
	s7 =	sand.u32 $0x1FFFFFF0, s7  }
0xb8: {  	[tilespmem:$0x1F400] =	vst v6;
	s7 =	sadd.s32 s4, s7  }
0xb9: {  	[hbm4b:s7+s3] =	stream.linear.scatter [tilespmem:s5], [sflag:$0x2], $0x80, $0x38;
	[tilespmem:$0x1F580] =	vst v63  }
0xba: {  	v60 =	vnsel vm1, $0x0, v4;
	_ =	swait.ge [sflag:s2], $0x80  }
0xbb: {  	v61 =	vnsel vm1, $0x0, v5;
	(xrf0) =	vadd.scan.msk.s32 $0xffff, v60  }
0xbc: {  	(xrf0) =	vadd.scan.msk.s32 $0xffff, v61;
	_ =	sdelay $0x4  }
0xbd: {  	v62, _, _ =	vpop (xrf0)  }
0xbe: {  	v63, _, _ =	vpop (xrf0)  }
0xbf: {  	(v2sf) =	vpush v63, $0xF;
	_ =	sdelay $0xd  }
0xc0: {  	v6 =	vbroadcast v62, $0xF  }
0xc1: {  	s8 =	spop (v2sf)  }
0xc2: {  	[sflag:s2] =	ssyncset.done $0x0;
	vm4 =	veq.s32 v6, v0;
	s7 =	sshll.u32 s8, $0x4  }
0xc3: {  	[sflag:s2] =	ssyncadd.s32 $0xFFFFFF80;
	v6 =	vsel vm4, $0x3F800000, v3;
	s7 =	sand.u32 $0x1FFFFFF0, s7  }
0xc4: {  	[tilespmem:$0x1F400] =	vst v6;
	s7 =	sadd.s32 s4, s7  }
0xc5: {  	[hbm4b:s7+s3] =	stream.linear.scatter [tilespmem:s5], [sflag:$0x2], $0x80, $0x38;
	[tilespmem:$0x1F580] =	vst v63  }
0xc6: {  	v4 =	vnsel vm0, $0x0, v4;
	_ =	swait.ge [sflag:s2], $0x80  }
0xc7: {  	(xrf0) =	vadd.scan.msk.s32 $0xffff, v4;
	v4 =	vnsel vm0, $0x0, v5  }
0xc8: {  	(xrf0) =	vadd.scan.msk.s32 $0xffff, v4;
	_ =	sdelay $0x4  }
0xc9: {  	v4, _, _ =	vpop (xrf0)  }
0xca: {  	v5, _, _ =	vpop (xrf0)  }
0xcb: {  	(v2sf) =	vpush v5, $0xF;
	_ =	sdelay $0xd  }
0xcc: {  	v4 =	vbroadcast v4, $0xF  }
0xcd: {  	s8 =	spop (v2sf)  }
0xce: {  	s6 =	sadd.s32 $0x1, s6;
	[sflag:s2] =	ssyncset.done $0x0;
	vm4 =	veq.s32 v4, v0;
	s7 =	sshll.u32 s8, $0x4  }
0xcf: {  	p0 =	sne.s32 s6, s1;
	[sflag:s2] =	ssyncadd.s32 $0xFFFFFF80;
	v4 =	vsel vm4, $0x3F800000, v3;
	s7 =	sand.u32 $0x1FFFFFF0, s7  }
.Ltmp1:
0xd0: {  	[tilespmem:$0x1F400] =	vst v4;
	s7 =	sadd.s32 s4, s7;
	(pc) =	sbr.rel @p0 .LBB2_1-.Ltmp1, $4  }
0xd1: {  	[hbm4b:s7+s3] =	stream.linear.scatter [tilespmem:s5], [sflag:$0x2], $0x80, $0x38;
	[tilespmem:$0x1F580] =	vst v63  }
0xd2: {  	_ =	swait.ge [sflag:s2], $0x80  }
0xd3: {  	[sflag:s2] =	ssyncset.done $0x0  }
0xd4: {  	[sflag:s2] =	ssyncadd.s32 $0xFFFFFF80  }
0xd5: {  	_ =	sfence.sel $0x180000  }
0xd6: {  	[bflag:$0x0] =	sbarrier.arrive $0xFFFF  }
0xd7: {  	_ =	strace $0x90000047  }
0xd8: {  	s0 =	stileid.u32;
	[bflag:$0x2] =	sbarrier.arrive $0xFFFF  }
0xd9: {  	p0 =	sne.s32 s0, $0x0;
	s0 =	rddreg [dreg:$0x2]  }
0xda: {  	s0 =	sadd.s32 @!p0 $0x100000, s0  }
0xdb: {  	[sflag:s0] =	ssyncadd.tile.s32 @!p0 $0x1;
	_ =	shalt  }
.Lfunc_end2:
_tile_overlayer_lowered:
.L_overlay_start_2:
0xdc: {  	(tag) =	ssettag $0x2  }
0xdd: {  	s0 =	rddreg [dreg:$0x0];
	s2 =	stileid.u32  }
0xde: {  	s1 =	rddreg [dreg:$0x1];
	p0 =	sne.s32 s2, $0x0  }
0xdf: {  	s3 =	rddreg [dreg:$0x2];
	[bflag:$0x3] =	sbarrier.arrive $0xFFFF;
	s2 =	simm.s32 @!p0 $0x1C02  }
0xe0: {  	[timem:s3], [sflag:s2] =	dma.local @!p0 [hbm:s0], s1  }
0xe1: {  	s0 =	simm.s32 @!p0 $0x2  }
0xe2: {  	_ =	swait.ge @!p0 [sflag:s0], s1  }
0xe3: {  	s1 =	ssub.s32 @!p0 $0x0, s1;
	[sflag:s0] =	ssyncset.done @!p0 $0x0  }
0xe4: {  	[sflag:s0] =	ssyncadd.s32 @!p0 s1  }
0xe5: {  	[bflag:$0x3] =	sbarrier.arrive $0xFFFF  }
0xe6: {  	_ =	shalt  }

// kernel: sparse-core-data-format-call.cloned.1.call-start
scs
called_computation_lowered:
.L_overlay_start_0:
0x0: {  	s2 =	sld [smem:$0x3FD9]  }
0x1: {  	s3 =	sld [smem:$0x3FFE];
	_ =	sdelay $0x1  }
0x2: {  	s1 =	srdreg.scid  }
0x3: {  	s0 =	sand.u32 $0x1, s1  }
0x4: {  	s18 =	sshll.u32 s0, $0xA;
	s2 =	sadd.s32 s3, s2  }
0x5: {  	s2 =	sadd.s32 s2, s18  }
0x6: {  	[smem:$0x3FC7] =	sst s2  }
0x7: {  	_ = 	snop  }
0x8: {  	s2 =	sld [smem:$0x3FD0];
	(tm) =	ssettm $0x1  }
0x9: {  	s19 =	sld [smem:$0x3FFB];
	_ =	sdelay $0x3  }
0xa: {  	_ =	strace s19  }
0xb: {  	s3 =	sld [smem:$0x3FFC];
	_ =	sdelay $0x3  }
0xc: {  	_ =	strace s3  }
0xd: {  	s3 =	sld [smem:$0x3FFD];
	_ =	sdelay $0x3  }
0xe: {  	_ =	strace s3  }
0xf: {  	_ =	strace $0x8FFFFFFF  }
0x10: {  	s20 =	sld [smem:$0x3FDB];
	_ =	sdelay $0x1  }
0x11: {  	s4 =	simm.s32 $_scs_section_size  }
0x12: {  	s5 =	simm.s32 $_size__tile_overlayer_lowered;
	s6 =	simm.s32 $_tile_overlayer_lowered  }
0x13: {  	s23 =	simm.s32 $0x1BFF;
	s22 =	sshll.u32 s6, $0x1;
	s3 =	sadd.s32 s4, s20  }
0x14: {  	s7 =	simm.s32 $0x0;
	s21 =	sshll.u32 s5, $0x1;
	s5 =	sadd.s32 s22, s3  }
0x15: {  	[timem:s7], [sflag:s23] =	dma.local [hbm:s5], s21  }
0x16: {  	_ =	swait.ge [sflag:s23], s21  }
0x17: {  	s4 =	ssub.s32 $0x0, s21;
	[sflag:s23] =	ssyncset.done $0x0  }
0x18: {  	[sflag:s23] =	ssyncadd.s32 s4;
	_ =	sdelay $0x1  }
0x19: {  	s24 =	simm.s32 $0x1B8B  }
0x1a: {  	_ =	swait.ge [sflag:s24], $0x1  }
0x1b: {  	[sflag:s24] =	ssyncset.done $0x0  }
0x1c: {  	s26 =	simm.s32 $0x1B8E;
	s25 =	sld [smem:$0x3FFE];
	[sflag:s24] =	ssyncadd.s32 $0xFFFFFFFF  }
0x1d: {  	s27 =	simm.s32 $execute0_lowered;
	[smem:$0x3FD2] =	sst s26  }
0x1e: {  	s5 =	sshll.u32 s27, $0x1;
	_ =	strace $0x80000049;
	[dreg:$0x1] =	wrdreg $0xFFFFFFFF  }
0x1f: {  	s28 =	simm.s32 $_size_execute0_lowered;
	s3 =	sadd.s32 s3, s5;
	[dreg:$0x0] =	wrdreg $0x0  }
0x20: {  	s5 =	sshll.u32 s28, $0x1;
	[dreg:$0x2] =	wrdreg s3  }
0x21: {  	[dreg:$0x3] =	wrdreg s5  }
0x22: {  	[dreg:$0x4] =	wrdreg $0xC0  }
0x23: {  	_ =	task [dreg:s7], $0x5FFFF  }
0x24: {  	[dreg:$0x1] =	wrdreg $0xFFFFFFFF  }
0x25: {  	[dreg:$0x0] =	wrdreg $0x60  }
0x26: {  	[dreg:$0x2] =	wrdreg s25  }
0x27: {  	[dreg:$0x3] =	wrdreg s2  }
0x28: {  	[dreg:$0x4] =	wrdreg $0x9  }
0x29: {  	_ =	task.clear_ibuf [dreg:s7], $0x5FFFF;
	_ =	strace $0x90000049  }
0x2a: {  	s29 =	simm.s32 $0x9;
	_ =	strace $0x8000004B  }
0x2b: {  	_ =	swait.ge [sflag:s29], $0x1  }
0x2c: {  	[sflag:s29] =	ssyncadd.s32 $0xFFFFFFFF  }
0x2d: {  	_ =	strace $0x9000004B  }
0x2e: {  	_ =	sfence  }
0x2f: {  	s30 =	sld [smem:$0x0];
	_ =	sdelay $0x2  }
0x30: {  	s31 =	sshll.u32 s1, $0xD;
	s1 =	sshrl.u32 s1, $0x2  }
0x31: {  	s3 =	sand.u32 $0x4000, s31;
	s1 =	sadd.s32 s1, s30  }
0x32: {  	s0 =	sor.u32 s3, s0;
	s1 =	sshll.u32 s1, $0x11  }
0x33: {  	s0 =	sor.u32 s1, s0  }
0x34: {  	s0 =	sadd.s32 $0x8F2B, s0  }
0x35: {  	[sflag:s0] =	ssyncadd.remote.s32 $0x1  }
0x36: {  	_ =	sfence.sel $0xFFFF  }
0x37: {  	[dreg:$0x0] =	wrdreg $0xFFFFFFFF;
	(pc) =	sbr.abs _section_cstart, $3  }
0x38: {  	[dreg:$0x1] =	wrdreg $0xFFFFFFFF  }
0x39: {  	_ =	task.clear_ibuf [dreg:s7], $0x2FFFF;
	_ =	strace $0x9FFFFFFF  }
0x3a: {  	(tm) =	ssettm $0x7FFFFFFF  }
0x3b: {  	_ =	shalt  }
tec
execute0_lowered:
.L_overlay_start_1:
0x0: {  	(tag) =	ssettag $0x1  }
0x1: {  	s4 =	rddreg [dreg:$0x0]  }
0x2: {  	s0 =	srdreg.scid;
	s2 =	rddreg [dreg:$0x1]  }
0x3: {  	s1 =	stileid.u32;
	s5 =	simm.s32 $0x1;
	s7 =	simm.s32 $0x2  }
0x4: {  	s14 =	simm.s32 $0x0;
	p0 =	por $0x0, $0x0;
	s0 =	sshll.u32 s0, $0x4  }
0x5: {  	s13 =	simm.s32 $0x0;
	s8 =	simm.s32 $0x0;
	s3 =	sand.u32 $0x10, s0  }
.Ltmp0:
0x6: {  	s9 =	simm.s32 $0x0;
	s3 =	sor.u32 s1, s3;
	(pc) =	sbr.rel .LBB1_1-.Ltmp0, $4  }
0x7: {  	s11 =	simm.s32 $0x0;
	s12 =	simm.s32 $0x0;
	s3 =	sshll.u32 s3, $0x7  }
0x8: {  	s0 =	rddreg [dreg:$0x2];
	_ =	strace $0x8000004A;
	s6 =	ssub.s32 $0x18680, s3  }
0x9: {  	s4 =	sadd.s32 $0xC35400, s4;
	[sflag:s5] =	ssyncpa.u1 $0x0;
	s6 =	sshrl.u32 s6, $0xC  }
0xa: {  	[sflag:s7] =	ssyncpa.u1 $0x0;
	s10 =	smov.u32 s3;
	s7 =	sadd.s32 $0x2, s6  }
.LBB1_5:
0xb: {  	p1 =	slt.u32 s12, $0x2  }
0xc: {  	p2 =	sgt.s32 @!p1 s14, $0x18620  }
0xd: {  	s15 =	smov.u32 s14;
	s16 =	sshra.s32 @!p1 s14, $0x1F;
	p2 =	por !p2, p1  }
0xe: {  	s14 =	sand.u32 @!p1 s16, s14;
	s15 =	simm.s32 @p2 $0x18620  }
0xf: {  	s14 =	ssub.s32 @!p1 s15, s14;
	s15 =	ssub.s32 @!p1 $0x0, s13  }
0x10: {  	s17 =	smov.u32 s11;
	s16 =	sadd.s32 @!p1 $0xFFFE79E0, s14;
	s13 =	smin.u32 @!p1 s13, s15  }
0x11: {  	s14 =	ssub.s32 @!p1 $0x186A0, s14;
	p2 =	sgt.s32 @!p1 s16, $0x7F;
	p3 =	sgt.s32 @!p1 s13, $0x7F  }
0x12: {  	s13 =	ssub.s32 @!p1 $0x80, s13;
	p2 =	por !p2, p1;
	p3 =	por !p3, p1  }
0x13: {  	s15 =	sadd.s32 $0x1000, s10;
	s14 =	simm.s32 @!p2 $0x0;
	s13 =	simm.s32 @!p3 $0x0  }
0x14: {  	p2 =	sgt.s32 s15, $0x1869F;
	s13 =	smul.u32 @!p1 s13, s14;
	s14 =	sadd.s32 $0x80, s11  }
0x15: {  	s17 =	smov.u32 @p2 s14  }
0x16: {  	s15 =	smov.u32 @p2 s3;
	p2 =	sgt.s32 s17, $0x7F  }
0x17: {  	s17 =	simm.s32 @p2 $0x0;
	p2 =	sne.s32 s12, s7  }
.Ltmp1:
0x18: {  	p0 =	por !p0, !p0;
	s16 =	simm.s32 @!p1 $0x2;
	(pc) =	sbr.rel @!p2 .LBB1_6-.Ltmp1, $4  }
0x19: {  	s14 =	smov.u32 s8;
	s8 =	smov.u32 s10;
	s13 =	sand.u32 @!p1 $0x3FFFFFFF, s13  }
0x1a: {  	s10 =	smov.u32 s15;
	_ =	swait.ge @!p1 [sflag:s16], s13;
	s18 =	ssub.s32 @!p1 $0x0, s13  }
0x1b: {  	s13 =	smov.u32 s9;
	s12 =	sadd.s32 $0x1, s12;
	[sflag:s16] =	ssyncset.done @!p1 $0x0  }
0x1c: {  	s9 =	smov.u32 s11;
	s11 =	smov.u32 s17;
	[sflag:s16] =	ssyncadd.s32 @!p1 s18  }
.LBB1_1:
0x1d: {  	p1 =	sgt.u32 s12, s6  }
0x1e: {  	s15 =	sshrl.u32 @!p1 s11, $0x3  }
0x1f: {  	s16 =	sshll.u32 @!p1 s10, $0x3;
	s15 =	smul.u32 @!p1 $0xC3800, s15  }
0x20: {  	s17 =	sshll.u32 @!p1 s11, $0x7;
	s16 =	sand.u32 @!p1 $0xFFFFFC00, s16  }
0x21: {  	s15 =	sadd.s32 @!p1 s15, s16;
	s16 =	sand.u32 @!p1 $0x380, s17  }
0x22: {  	s17 =	sand.u32 @!p1 $0x7F, s10;
	s15 =	sor.u32 @!p1 s16, s15  }
0x23: {  	s16 =	sor.u32 @!p1 s17, s15  }
0x24: {  	s17 =	smulhi.u32 @!p1 $0xA79C7B17, s16;
	_ =	sdelay $0x1  }
0x25: {  	s15 =	smulhi.u32 @!p1 $0xA79C7B17, s15;
	s17 =	sshrl.u32 @!p1 s17, $0x10  }
0x26: {  	s17 =	smul.u32 @!p1 $0x18700, s17  }
0x27: {  	s18 =	sxor.u32 @!p1 $0xFFFFFFFF, s12;
	s15 =	sshrl.u32 @!p1 s15, $0x10  }
0x28: {  	s18 =	sshll.u32 @!p1 s18, $0xE;
	s15 =	sand.u32 @!p1 $0x7F, s15;
	s16 =	ssub.s32 @!p1 s16, s17  }
0x29: {  	s15 =	smul.u32 @!p1 $0x30E0, s15;
	s17 =	sshrl.u32 @!p1 s16, $0x3;
	s16 =	sand.u32 @!p1 $0x7, s16  }
0x2a: {  	s18 =	sand.u32 @!p1 $0x4000, s18;
	s17 =	sadd.s32 @!p1 s4, s17;
	s16 =	sshll.u32 @!p1 s16, $0x12  }
0x2b: {  	s15 =	sadd.s32 @!p1 s15, s17;
	s16 =	sor.u32 @!p1 $0x400, s16;
	s17 =	simm.s32 @!p1 $0xC3800  }
0x2c: {  	[tilespmem:s18], [sflag:$0x1] =	stream.strided.gather @!p1 [hbm4b:s15+s16], $0x4000, s17, s16, $0x38;
	[tilespmem:$0x10100] =	vst v63  }
0x2d: {  	p1 =	seq.s32 s12, $0x0  }
0x2e: {  	p2 =	sge.u32 @!p1 s12, s7  }
0x2f: {  	p1 =	por p1, p2  }
.Ltmp2:
0x30: {  	_ = 	snop;
	(pc) =	sbr.rel @p1 .LBB1_5-.Ltmp2, $1  }
0x31: {  	_ =	sdelay $0x3  }
0x32: {  	s15 =	simm.s32 $0x1  }
0x33: {  	_ =	swait.ge [sflag:s5], $0x4000;
	s15 =	simm.s32 @!p0 $0x0  }
0x34: {  	[sflag:s5] =	ssyncset.done $0x0;
	s16 =	sshll.u32 s15, $0xE  }
0x35: {  	[sflag:s5] =	ssyncadd.s32 $0xFFFFC000;
	s16 =	sor.u32 $0x40, s16  }
0x36: {  	s15 =	smul.u32 $0x10200, s15;
	v0 =	vld [tilespmem:s16+$0x30]  }
0x37: {  	v1 =	vld [tilespmem:s16+$0xFFFFFFD0]  }
0x38: {  	s15 =	sshrl.u32 s15, $0x2;
	v5 =	vld [tilespmem:s16+$0xFFFFFFE0]  }
0x39: {  	v6 =	vld [tilespmem:s16+$0xFFFFFFF0];
	s18 =	sor.u32 $0x8000, s15  }
0x3a: {  	s31 =	sand.u32 $0x1, s12;
	v4 =	vld [tilespmem:s16+$0x0];
	s17 =	sadd.s32 $0x0, s18  }
0x3b: {  	v3 =	vld [tilespmem:s16+$0x10];
	s15 =	smul.u32 $0x10200, s31;
	[tilespmem:s17+$0x3870 ss:$0x81] =	vst.msk $0xffff, v0  }
0x3c: {  	v2 =	vld [tilespmem:s16+$0x20];
	[tilespmem:s17+$0x810 ss:$0x81] =	vst.msk $0xffff, v1  }
0x3d: {  	s15 =	sshrl.u32 s15, $0x2;
	v0 =	vld [tilespmem:s16+$0xFFFFFFC0];
	[tilespmem:s17+$0x1020 ss:$0x81] =	vst.msk $0xffff, v5;
	s16 =	sadd.s32 $0x80, s16  }
0x3e: {  	s19 =	simm.s32 $0x4;
	s20 =	simm.s32 $0x8;
	s15 =	sor.u32 $0x8000, s15;
	[tilespmem:s17+$0x1830 ss:$0x81] =	vst.msk $0xffff, v6;
	v1 =	vld [tilespmem:s16+$0x30]  }
.LBB1_3:
0x3f: {  	p1 =	sne.s32 s20, $0x1FC;
	v5 =	vld [tilespmem:s16+$0xFFFFFFD0];
	[tilespmem:s17+$0x2040 ss:$0x81] =	vst.msk $0xffff, v4  }
0x40: {  	v6 =	vld [tilespmem:s16+$0xFFFFFFE0];
	[tilespmem:s17+$0x2850 ss:$0x81] =	vst.msk $0xffff, v3  }
0x41: {  	s21 =	sshra.s32 s19, $0x2;
	s19 =	smov.u32 s20;
	v7 =	vld [tilespmem:s16+$0xFFFFFFF0];
	[tilespmem:s17+$0x3060 ss:$0x81] =	vst.msk $0xffff, v2  }
.Ltmp3:
0x42: {  	v4 =	vld [tilespmem:s16+$0x0];
	[tilespmem:s17+$0x0 ss:$0x81] =	vst.msk $0xffff, v0;
	s17 =	sadd.s32 s21, s18;
	(pc) =	sbr.rel @p1 .LBB1_3-.Ltmp3, $4  }
0x43: {  	v3 =	vld [tilespmem:s16+$0x10];
	[tilespmem:s17+$0x3870 ss:$0x81] =	vst.msk $0xffff, v1  }
0x44: {  	[tilespmem:s17+$0x810 ss:$0x81] =	vst.msk $0xffff, v5;
	v2 =	vld [tilespmem:s16+$0x20]  }
0x45: {  	v0 =	vld [tilespmem:s16+$0xFFFFFFC0];
	[tilespmem:s17+$0x1020 ss:$0x81] =	vst.msk $0xffff, v6;
	s16 =	sadd.s32 $0x80, s16  }
0x46: {  	s20 =	sadd.s32 $0x4, s20;
	v1 =	vld [tilespmem:s16+$0x30];
	[tilespmem:s17+$0x1830 ss:$0x81] =	vst.msk $0xffff, v7  }
0x47: {  	s20 =	sshll.u32 s8, $0x7;
	s21 =	sshll.u32 s9, $0x3;
	s19 =	sshra.s32 s19, $0x2  }
0x48: {  	v5 =	vld [tilespmem:s16+$0xFFFFFFD0];
	[tilespmem:s17+$0x2040 ss:$0x81] =	vst.msk $0xffff, v4;
	p1 =	sgt.s32 s8, $0x18620;
	s22 =	sand.u32 $0xFFFFFC00, s20;
	s21 =	sand.u32 $0xFFFFFC00, s21  }
0x49: {  	v58 =	vld [tilespmem:s16+$0xFFFFFFE0];
	s24 =	sshra.s32 s8, $0x1F;
	s20 =	sand.u32 $0x380, s20;
	[tilespmem:s17+$0x2850 ss:$0x81] =	vst.msk $0xffff, v3;
	s21 =	sadd.s32 s21, s22  }
0x4a: {  	v59 =	vld [tilespmem:s16+$0xFFFFFFF0];
	s26 =	ssub.s32 $0x0, s9;
	s18 =	sadd.s32 s19, s18;
	[tilespmem:s17+$0x3060 ss:$0x81] =	vst.msk $0xffff, v2;
	s23 =	sor.u32 s20, s21  }
0x4b: {  	v60 =	vld [tilespmem:s16+$0x0];
	s28 =	smin.u32 s9, s26;
	s20 =	smov.u32 s8;
	[tilespmem:s17+$0x0 ss:$0x81] =	vst.msk $0xffff, v0;
	s19 =	sshrl.u32 s23, $0x7  }
0x4c: {  	v61 =	vld [tilespmem:s16+$0x10];
	s21 =	sand.u32 s24, s8;
	s20 =	simm.s32 @!p1 $0x18620;
	[tilespmem:s18+$0x3870 ss:$0x81] =	vst.msk $0xffff, v1;
	s25 =	smulhi.u32 $0x14F8B59, s19  }
0x4d: {  	v62 =	vld [tilespmem:s16+$0x20];
	s29 =	sshrl.u32 s9, $0x3;
	p2 =	sgt.s32 s28, $0x7F;
	s20 =	ssub.s32 s20, s21;
	[tilespmem:s18+$0x810 ss:$0x81] =	vst.msk $0xffff, v5  }
0x4e: {  	v63 =	vld [tilespmem:s16+$0xFFFFFFC0];
	[tilespmem:s18+$0x1020 ss:$0x81] =	vst.msk $0xffff, v58;
	s21 =	sadd.s32 $0xFFFE79E0, s20;
	s20 =	ssub.s32 $0x186A0, s20;
	s17 =	sshrl.u32 s25, $0x9  }
0x4f: {  	[tilespmem:s18+$0x1830 ss:$0x81] =	vst.msk $0xffff, v59;
	p1 =	sgt.s32 s21, $0x7F;
	s27 =	smul.u32 $0x186A0, s17;
	s17 =	ssub.s32 $0x80, s28  }
.Ltmp4:
0x50: {  	[tilespmem:s18+$0x2040 ss:$0x81] =	vst.msk $0xffff, v60;
	s20 =	simm.s32 @p1 $0x0;
	s17 =	simm.s32 @p2 $0x0;
	(pc) =	sbr.rel .LBB1_5-.Ltmp4, $4  }
0x51: {  	s30 =	sand.u32 $0xF, s29;
	[tilespmem:s18+$0x2850 ss:$0x81] =	vst.msk $0xffff, v61;
	s16 =	ssub.s32 s19, s27;
	s17 =	smul.u32 s17, s20  }
0x52: {  	[tilespmem:s18+$0x3060 ss:$0x81] =	vst.msk $0xffff, v62;
	s19 =	sadd.s32 s2, s30;
	s16 =	sshll.u32 s16, $0x4  }
0x53: {  	s31 =	sand.u32 $0x7, s9;
	[tilespmem:s18+$0x0 ss:$0x81] =	vst.msk $0xffff, v63;
	s17 =	sand.u32 $0x3FFFFFFF, s17;
	s16 =	sadd.s32 s16, s19  }
0x54: {  	[hbm4b:s16+s31] =	stream.linear.scatter [tilespmem:s15], [sflag:$0x2], s17, $0x20;
	[tilespmem:$0x10100] =	vst v63  }
.LBB1_6:
0x55: {  	_ =	sfence.sel $0x180000  }
0x56: {  	s2 =	simm.s32 $0x1;
	[bflag:$0x0] =	sbarrier.arrive $0xFFFF  }
0x57: {  	s31 =	simm.s32 $0x2;
	[sflag:s2] =	ssyncpa.u1 $0x1  }
0x58: {  	[sflag:s31] =	ssyncpa.u1 $0x1  }
0x59: {  	p0 =	sne.s32 s1, $0x0;
	_ =	strace $0x9000004A  }
0x5a: {  	s0 =	sadd.s32 @!p0 $0x100000, s0;
	[bflag:$0x2] =	sbarrier.arrive $0xFFFF  }
0x5b: {  	[sflag:s0] =	ssyncadd.tile.s32 @!p0 $0x1;
	_ =	shalt  }
.Lfunc_end1:
_tile_overlayer_lowered:
.L_overlay_start_2:
0x5c: {  	(tag) =	ssettag $0x2  }
0x5d: {  	s0 =	rddreg [dreg:$0x0];
	s2 =	stileid.u32  }
0x5e: {  	s1 =	rddreg [dreg:$0x1];
	p0 =	sne.s32 s2, $0x0  }
0x5f: {  	s3 =	rddreg [dreg:$0x2];
	[bflag:$0x3] =	sbarrier.arrive $0xFFFF;
	s2 =	simm.s32 @!p0 $0x1C01  }
0x60: {  	[timem:s3], [sflag:s2] =	dma.local @!p0 [hbm:s0], s1  }
0x61: {  	s0 =	simm.s32 @!p0 $0x1  }
0x62: {  	_ =	swait.ge @!p0 [sflag:s0], s1  }
0x63: {  	s1 =	ssub.s32 @!p0 $0x0, s1;
	[sflag:s0] =	ssyncset.done @!p0 $0x0  }
0x64: {  	[sflag:s0] =	ssyncadd.s32 @!p0 s1  }
0x65: {  	[bflag:$0x3] =	sbarrier.arrive $0xFFFF  }
0x66: {  	_ =	shalt  }

</sc_bundles>
